<compile_context>
chip_gen: v7x
topology: tpu7x:2x2x1
jax: 0.10.2.dev20260603
libtpu: 0.0.44.dev20260713+nightly
codegen_flags: <defaults>
</compile_context>

<pallas_src>
import functools

import jax
import jax.numpy as jnp
from jax.experimental import pallas as pl
from jax.experimental.pallas import tpu as pltpu

DIM = 192
NUM_HEADS = 8
HEAD_DIM = DIM // NUM_HEADS
N_WIN = 28
NREG = N_WIN * N_WIN
RH = 8
RS = RH * RH
TOPK = 4
SCALE = DIM ** (-0.5)
H = 224
W = 224

_RB = 16
_TR = 16


def _qkv_body(x_ref, w_ref, b_ref, q_ref, k_ref, v_ref, qr_ref, kr_ref):
    xm = x_ref[...].reshape(_RB * RS, DIM)
    y = jnp.dot(xm, w_ref[...], preferred_element_type=jnp.float32) + b_ref[...]
    q = y[:, :DIM].reshape(_RB, RS, DIM)
    k = y[:, DIM:2 * DIM].reshape(_RB, RS, DIM)
    v = y[:, 2 * DIM:].reshape(_RB, RS, DIM)
    q_ref[...] = q
    k_ref[...] = k
    v_ref[...] = v
    qr_ref[...] = jnp.mean(q, axis=1)
    kr_ref[...] = jnp.mean(k, axis=1)


def _qkv_call(xt, wq, b2):
    nsteps = NREG // _RB
    return pl.pallas_call(
        _qkv_body,
        grid=(nsteps,),
        in_specs=[
            pl.BlockSpec((_RB, RS, DIM), lambda i: (i, 0, 0)),
            pl.BlockSpec((DIM, 3 * DIM), lambda i: (0, 0)),
            pl.BlockSpec((1, 3 * DIM), lambda i: (0, 0)),
        ],
        out_specs=[
            pl.BlockSpec((_RB, RS, DIM), lambda i: (i, 0, 0)),
            pl.BlockSpec((_RB, RS, DIM), lambda i: (i, 0, 0)),
            pl.BlockSpec((_RB, RS, DIM), lambda i: (i, 0, 0)),
            pl.BlockSpec((_RB, DIM), lambda i: (i, 0)),
            pl.BlockSpec((_RB, DIM), lambda i: (i, 0)),
        ],
        out_shape=[
            jax.ShapeDtypeStruct((NREG, RS, DIM), jnp.float32),
            jax.ShapeDtypeStruct((NREG, RS, DIM), jnp.float32),
            jax.ShapeDtypeStruct((NREG, RS, DIM), jnp.float32),
            jax.ShapeDtypeStruct((NREG, DIM), jnp.float32),
            jax.ShapeDtypeStruct((NREG, DIM), jnp.float32),
        ],
    )(xt, wq, b2)


def _route_body(qr_ref, kr_ref, idx_ref):
    a = jax.lax.dot_general(
        qr_ref[...], kr_ref[...], (((1,), (1,)), ((), ())),
        preferred_element_type=jnp.float32)
    lane = jax.lax.broadcasted_iota(jnp.int32, (NREG, NREG), 1)
    for t in range(TOPK):
        mx = jnp.max(a, axis=1, keepdims=True)
        m = jnp.min(jnp.where(a == mx, lane, NREG), axis=1)
        idx_ref[t, :] = m
        a = jnp.where(lane == m[:, None], -jnp.inf, a)


def _route_call(qr, kr):
    return pl.pallas_call(
        _route_body,
        in_specs=[
            pl.BlockSpec((NREG, DIM), lambda: (0, 0)),
            pl.BlockSpec((NREG, DIM), lambda: (0, 0)),
        ],
        out_specs=pl.BlockSpec((TOPK, NREG), lambda: (0, 0)),
        out_shape=jax.ShapeDtypeStruct((TOPK, NREG), jnp.int32),
    )(qr, kr)


def _attn_body(idx_ref, q_ref, k0, k1, k2, k3, v0, v1, v2, v3, o_ref):
    del idx_ref
    q = q_ref[0] * SCALE
    kc = jnp.concatenate([k0[0], k1[0], k2[0], k3[0]], axis=0)
    vc = jnp.concatenate([v0[0], v1[0], v2[0], v3[0]], axis=0)
    outs = []
    for h in range(NUM_HEADS):
        s = h * HEAD_DIM
        qh = q[:, s:s + HEAD_DIM]
        kh = kc[:, s:s + HEAD_DIM]
        logits = jax.lax.dot_general(
            qh, kh, (((1,), (1,)), ((), ())),
            preferred_element_type=jnp.float32)
        mx = jnp.max(logits, axis=1, keepdims=True)
        p = jnp.exp(logits - mx)
        p = p / jnp.sum(p, axis=1, keepdims=True)
        outs.append(jnp.dot(p, vc[:, s:s + HEAD_DIM],
                            preferred_element_type=jnp.float32))
    o_ref[0] = jnp.concatenate(outs, axis=1)


def _gspec(t):
    return pl.BlockSpec((1, RS, DIM), lambda r, idx: (idx[t, r], 0, 0))


def _attn_call(idxs, q, k, v):
    grid_spec = pltpu.PrefetchScalarGridSpec(
        num_scalar_prefetch=1,
        grid=(NREG,),
        in_specs=[
            pl.BlockSpec((1, RS, DIM), lambda r, idx: (r, 0, 0)),
            _gspec(0), _gspec(1), _gspec(2), _gspec(3),
            _gspec(0), _gspec(1), _gspec(2), _gspec(3),
        ],
        out_specs=pl.BlockSpec((1, RS, DIM), lambda r, idx: (r, 0, 0)),
    )
    return pl.pallas_call(
        _attn_body,
        grid_spec=grid_spec,
        out_shape=jax.ShapeDtypeStruct((NREG, RS, DIM), jnp.float32),
    )(idxs, q, k, k, k, k, v, v, v, v)


def _out_body(vc_ref, vt_ref, vb_ref, a_ref, wl_ref, lb_ref, wo_ref, ob_ref,
              o_ref):
    i = pl.program_id(0)
    n = pl.num_programs(0)
    top = jnp.where(i > 0, vt_ref[...], 0.0)
    bot = jnp.where(i < n - 1, vb_ref[...], 0.0)
    ext = jnp.concatenate([top, vc_ref[...], bot], axis=0)
    acc = a_ref[...] + lb_ref[...][None]
    kk = 0
    for dh in (0, 1, 2):
        sh_rows = ext[dh:dh + _TR]
        for dw in (-1, 0, 1):
            if dw == -1:
                sh = jnp.concatenate(
                    [jnp.zeros((_TR, 1, DIM), jnp.float32), sh_rows[:, :-1]],
                    axis=1)
            elif dw == 1:
                sh = jnp.concatenate(
                    [sh_rows[:, 1:], jnp.zeros((_TR, 1, DIM), jnp.float32)],
                    axis=1)
            else:
                sh = sh_rows
            acc = acc + sh * wl_ref[kk, :][None, None, :]
            kk += 1
    y = acc.reshape(_TR * W, DIM)
    out = jax.lax.dot_general(
        wo_ref[...], y, (((1,), (1,)), ((), ())),
        preferred_element_type=jnp.float32)
    o_ref[...] = out.reshape(DIM, _TR, W) + ob_ref[...][:, :, None]


def _out_call(v_sp, a_sp, wl, lb, wo, ob):
    nsteps = H // _TR
    return pl.pallas_call(
        _out_body,
        grid=(nsteps,),
        in_specs=[
            pl.BlockSpec((_TR, W, DIM), lambda i: (i, 0, 0)),
            pl.BlockSpec((1, W, DIM), lambda i: (jnp.maximum(i * _TR - 1, 0), 0, 0)),
            pl.BlockSpec((1, W, DIM), lambda i: (jnp.minimum(i * _TR + _TR, H - 1), 0, 0)),
            pl.BlockSpec((_TR, W, DIM), lambda i: (i, 0, 0)),
            pl.BlockSpec((16, DIM), lambda i: (0, 0)),
            pl.BlockSpec((1, DIM), lambda i: (0, 0)),
            pl.BlockSpec((DIM, DIM), lambda i: (0, 0)),
            pl.BlockSpec((DIM, 1), lambda i: (0, 0)),
        ],
        out_specs=pl.BlockSpec((DIM, _TR, W), lambda i: (0, i, 0)),
        out_shape=jax.ShapeDtypeStruct((DIM, H, W), jnp.float32),
    )(v_sp, v_sp, v_sp, a_sp, wl, lb, wo, ob)


def kernel(x, qkv_w, qkv_b, lepe_w, lepe_b, out_w, out_b):
    xt = x.reshape(DIM, N_WIN, RH, N_WIN, RH).transpose(1, 3, 2, 4, 0)
    xt = xt.reshape(NREG, RS, DIM)
    wq = qkv_w.T
    b2 = qkv_b.reshape(1, 3 * DIM)

    q, k, v, qr, kr = _qkv_call(xt, wq, b2)
    idxs = _route_call(qr, kr)
    ot = _attn_call(idxs, q, k, v)

    def to_sp(t):
        t = t.reshape(N_WIN, N_WIN, RH, RH, DIM).transpose(0, 2, 1, 3, 4)
        return t.reshape(H, W, DIM)

    v_sp = to_sp(v)
    a_sp = to_sp(ot)
    wl = jnp.pad(lepe_w.reshape(DIM, 9).T, ((0, 7), (0, 0)))
    out = _out_call(v_sp, a_sp, wl, lepe_b.reshape(1, DIM), out_w,
                    out_b.reshape(DIM, 1))
    return out.reshape(1, DIM, H, W)

# --- scband reference (transcript-rebuilt; emitter-appended) ---
"""Pipeline reference for scband-nchw-bra-66812511256599 (READ-ONLY COPY).

The authoritative reference and input builder live on the scoring server;
editing this copy changes nothing except your own understanding.
"""

import jax, jax.numpy as jnp
import numpy as np

DIM = 192
NUM_HEADS = 8
N_WIN = 28
TOPK = 4
SCALE = DIM ** (-0.5)


def setup_inputs(seed: int = 0) -> dict:
    key = jax.random.key(seed)
    ks = jax.random.split(key, 8)
    N, C, H, W = 1, DIM, 224, 224
    x = jax.random.normal(ks[0], (N, C, H, W), dtype=jnp.float32)
    qkv_w = jax.random.normal(ks[1], (3 * DIM, DIM), dtype=jnp.float32) * (1.0 / float(np.sqrt(DIM)))
    qkv_b = jnp.zeros((3 * DIM,), dtype=jnp.float32)
    lepe_w = jax.random.normal(ks[2], (DIM, 1, 3, 3), dtype=jnp.float32) * (1.0 / 3.0)
    lepe_b = jnp.zeros((DIM,), dtype=jnp.float32)
    out_w = jax.random.normal(ks[3], (DIM, DIM), dtype=jnp.float32) * (1.0 / float(np.sqrt(DIM)))
    out_b = jnp.zeros((DIM,), dtype=jnp.float32)
    return {"x": x, "qkv_w": qkv_w, "qkv_b": qkv_b, "lepe_w": lepe_w,
            "lepe_b": lepe_b, "out_w": out_w, "out_b": out_b}


def _bra_forward(x, qkv_w, qkv_b, lepe_w, lepe_b, out_w, out_b):
    N, C, H, W = x.shape
    rh, rw = H // N_WIN, W // N_WIN
    nreg = N_WIN * N_WIN
    rs = rh * rw
    head_dim = C // NUM_HEADS

    # qkv 1x1 conv
    qkv = jnp.einsum('nchw,oc->nohw', x, qkv_w) + qkv_b[None, :, None, None]
    q, k, v = jnp.split(qkv, 3, axis=1)

    # regional average pooling on detached q, k (kernel = region size, divisible -> exact mean)
    def pool(t):
        t = t.reshape(N, C, N_WIN, rh, N_WIN, rw)
        return t.mean(axis=(3, 5))  # (N, C, n_win, n_win)

    q_r = pool(jax.lax.stop_gradient(q))
    k_r = pool(jax.lax.stop_gradient(k))
    q_r = q_r.transpose(0, 2, 3, 1).reshape(N, nreg, C)  # N, nreg, C
    k_r = k_r.reshape(N, C, nreg)                          # N, C, nreg
    a_r = q_r @ k_r                                        # N, nreg, nreg
    _, idx_r = jax.lax.top_k(a_r, TOPK)                    # N, nreg, TOPK
    idx_r = jnp.broadcast_to(idx_r[:, None], (N, NUM_HEADS, nreg, TOPK))

    # b (m hd) (hr h) (wr w) -> b m (hr wr) (h w) hd
    def to_bmlc(t):
        t = t.reshape(N, NUM_HEADS, head_dim, N_WIN, rh, N_WIN, rw)
        t = t.transpose(0, 1, 3, 5, 4, 6, 2)
        return t.reshape(N, NUM_HEADS, nreg, rs, head_dim)

    q_t = to_bmlc(q)
    k_t = to_bmlc(k)
    v_t = to_bmlc(v)

    # gather topk kv regions per query region (per batch, per head)
    def gather_fn(kv, idx):
        # kv: (nreg, rs, hd), idx: (nreg, TOPK) -> (nreg, TOPK, rs, hd)
        return jnp.take(kv, idx, axis=0)

    key_g = jax.vmap(jax.vmap(gather_fn))(k_t, idx_r)
    val_g = jax.vmap(jax.vmap(gather_fn))(v_t, idx_r)
    key_g = key_g.reshape(N, NUM_HEADS, nreg, TOPK * rs, head_dim)
    val_g = val_g.reshape(N, NUM_HEADS, nreg, TOPK * rs, head_dim)

    # token-to-token attention within routed regions
    attn = (q_t * SCALE) @ jnp.swapaxes(key_g, -1, -2)  # (N, M, nreg, rs, TOPK*rs)
    attn = jax.nn.softmax(attn, axis=-1)
    out = attn @ val_g                                   # (N, M, nreg, rs, hd)

    # b m (hr wr) (h w) hd -> b (m hd) (hr h) (wr w)
    out = out.reshape(N, NUM_HEADS, N_WIN, N_WIN, rh, rw, head_dim)
    out = out.transpose(0, 1, 6, 2, 4, 3, 5).reshape(N, C, H, W)

    # lepe: depthwise 3x3 conv on v
    lepe = jax.lax.conv_general_dilated(
        v, lepe_w, window_strides=(1, 1), padding='SAME',
        feature_group_count=C,
        dimension_numbers=('NCHW', 'OIHW', 'NCHW')) + lepe_b[None, :, None, None]

    out = out + lepe
    out = jnp.einsum('nchw,oc->nohw', out, out_w) + out_b[None, :, None, None]
    return out


def reference(x, qkv_w, qkv_b, lepe_w, lepe_b, out_w, out_b):
    return _bra_forward(x, qkv_w, qkv_b, lepe_w, lepe_b, out_w, out_b)

if __name__ == "__main__":
    import jax
    _d = setup_inputs()
    print(jax.jit(kernel)(*tuple(_d.values())))

</pallas_src>

<mosaic_0001>
module attributes {stable_mosaic.version = 14 : i64} {
  func.func @_route_body(%arg0: memref<784x192xf32, #tpu.memory_space<vmem>>, %arg1: memref<784x192xf32, #tpu.memory_space<vmem>>, %arg2: memref<4x784xi32, #tpu.memory_space<vmem>>) attributes {dimension_semantics = [], scalar_prefetch = 0 : i64, scratch_operands = 0 : i64, tpu.core_type = #tpu.core_type<tc>} {
    %get3A = arith.constant 0 : index
    %get3A_0 = arith.constant 0 : index
    %get3A_1 = vector.load %arg0[%get3A, %get3A_0] : memref<784x192xf32, #tpu.memory_space<vmem>>, vector<784x192xf32>
    %get3A_2 = arith.constant 0 : index
    %get3A_3 = arith.constant 0 : index
    %get3A_4 = vector.load %arg1[%get3A_2, %get3A_3] : memref<784x192xf32, #tpu.memory_space<vmem>>, vector<784x192xf32>
    %dot_general3A = arith.constant dense<0.000000e+00> : vector<784x784xf32>
    %dot_general3A_5 = tpu.matmul %get3A_1, %get3A_4, %dot_general3A {dimension_numbers = #tpu.dot_dimension_numbers<[1], [1], [0], [0], [0, 0, 1, 0], [], []>, transpose_lhs_hint = false} : vector<784x192xf32>, vector<784x192xf32>, vector<784x784xf32> -> vector<784x784xf32>
    %iota3A = tpu.iota {dimensions = array<i32: 1>} : vector<784x784xi32>
    %reduce_max3A = arith.constant dense<0xFF800000> : vector<784xf32>
    %reduce_max3A_6 = vector.multi_reduction <maximumf>, %dot_general3A_5, %reduce_max3A [1] : vector<784x784xf32> to vector<784xf32>
    %broadcast_in_dim3A = vector.shape_cast %reduce_max3A_6 : vector<784xf32> to vector<784x1xf32>
    %eq3A = vector.broadcast %broadcast_in_dim3A : vector<784x1xf32> to vector<784x784xf32>
    %eq3A_7 = arith.cmpf oeq, %dot_general3A_5, %eq3A : vector<784x784xf32>
    %jit3A = arith.constant 784 : i32
    %broadcast_in_dim3A_8 = vector.broadcast %jit3A : i32 to vector<784x784xi32>
    %select_n3A = arith.select %eq3A_7, %iota3A, %broadcast_in_dim3A_8 : vector<784x784xi1>, vector<784x784xi32>
    %reduce_min3A = arith.constant dense<2147483647> : vector<784xi32>
    %reduce_min3A_9 = vector.multi_reduction <minsi>, %select_n3A, %reduce_min3A [1] : vector<784x784xi32> to vector<784xi32>
    %swap3A = arith.constant 0 : index
    %swap3A_10 = arith.constant 0 : index
    %swap3A_11 = vector.load %arg2[%swap3A, %swap3A_10] : memref<4x784xi32, #tpu.memory_space<vmem>>, vector<1x784xi32>
    %swap3A_12 = vector.shape_cast %swap3A_11 : vector<1x784xi32> to vector<784xi32>
    %swap3A_13 = vector.shape_cast %reduce_min3A_9 : vector<784xi32> to vector<1x784xi32>
    tpu.vector_store %arg2[%swap3A, %swap3A_10], %swap3A_13 {strides = array<i32>} : memref<4x784xi32, #tpu.memory_space<vmem>>, vector<1x784xi32>,
    %broadcast_in_dim3A_14 = vector.shape_cast %reduce_min3A_9 : vector<784xi32> to vector<784x1xi32>
    %eq3A_15 = vector.broadcast %broadcast_in_dim3A_14 : vector<784x1xi32> to vector<784x784xi32>
    %eq3A_16 = arith.cmpi eq, %iota3A, %eq3A_15 : vector<784x784xi32>
    %jit3A_17 = arith.constant 0xFF800000 : f32
    %broadcast_in_dim3A_18 = vector.broadcast %jit3A_17 : f32 to vector<784x784xf32>
    %select_n3A_19 = arith.select %eq3A_16, %broadcast_in_dim3A_18, %dot_general3A_5 : vector<784x784xi1>, vector<784x784xf32>
    %reduce_max3A_20 = arith.constant dense<0xFF800000> : vector<784xf32>
    %reduce_max3A_21 = vector.multi_reduction <maximumf>, %select_n3A_19, %reduce_max3A_20 [1] : vector<784x784xf32> to vector<784xf32>
    %broadcast_in_dim3A_22 = vector.shape_cast %reduce_max3A_21 : vector<784xf32> to vector<784x1xf32>
    %eq3A_23 = vector.broadcast %broadcast_in_dim3A_22 : vector<784x1xf32> to vector<784x784xf32>
    %eq3A_24 = arith.cmpf oeq, %select_n3A_19, %eq3A_23 : vector<784x784xf32>
    %jit3A_25 = arith.constant 784 : i32
    %broadcast_in_dim3A_26 = vector.broadcast %jit3A_25 : i32 to vector<784x784xi32>
    %select_n3A_27 = arith.select %eq3A_24, %iota3A, %broadcast_in_dim3A_26 : vector<784x784xi1>, vector<784x784xi32>
    %reduce_min3A_28 = arith.constant dense<2147483647> : vector<784xi32>
    %reduce_min3A_29 = vector.multi_reduction <minsi>, %select_n3A_27, %reduce_min3A_28 [1] : vector<784x784xi32> to vector<784xi32>
    %swap3A_30 = arith.constant 1 : index
    %swap3A_31 = arith.constant 0 : index
    %swap3A_32 = vector.load %arg2[%swap3A_30, %swap3A_31] : memref<4x784xi32, #tpu.memory_space<vmem>>, vector<1x784xi32>
    %swap3A_33 = vector.shape_cast %swap3A_32 : vector<1x784xi32> to vector<784xi32>
    %swap3A_34 = vector.shape_cast %reduce_min3A_29 : vector<784xi32> to vector<1x784xi32>
    tpu.vector_store %arg2[%swap3A_30, %swap3A_31], %swap3A_34 {strides = array<i32>} : memref<4x784xi32, #tpu.memory_space<vmem>>, vector<1x784xi32>,
    %broadcast_in_dim3A_35 = vector.shape_cast %reduce_min3A_29 : vector<784xi32> to vector<784x1xi32>
    %eq3A_36 = vector.broadcast %broadcast_in_dim3A_35 : vector<784x1xi32> to vector<784x784xi32>
    %eq3A_37 = arith.cmpi eq, %iota3A, %eq3A_36 : vector<784x784xi32>
    %jit3A_38 = arith.constant 0xFF800000 : f32
    %broadcast_in_dim3A_39 = vector.broadcast %jit3A_38 : f32 to vector<784x784xf32>
    %select_n3A_40 = arith.select %eq3A_37, %broadcast_in_dim3A_39, %select_n3A_19 : vector<784x784xi1>, vector<784x784xf32>
    %reduce_max3A_41 = arith.constant dense<0xFF800000> : vector<784xf32>
    %reduce_max3A_42 = vector.multi_reduction <maximumf>, %select_n3A_40, %reduce_max3A_41 [1] : vector<784x784xf32> to vector<784xf32>
    %broadcast_in_dim3A_43 = vector.shape_cast %reduce_max3A_42 : vector<784xf32> to vector<784x1xf32>
    %eq3A_44 = vector.broadcast %broadcast_in_dim3A_43 : vector<784x1xf32> to vector<784x784xf32>
    %eq3A_45 = arith.cmpf oeq, %select_n3A_40, %eq3A_44 : vector<784x784xf32>
    %jit3A_46 = arith.constant 784 : i32
    %broadcast_in_dim3A_47 = vector.broadcast %jit3A_46 : i32 to vector<784x784xi32>
    %select_n3A_48 = arith.select %eq3A_45, %iota3A, %broadcast_in_dim3A_47 : vector<784x784xi1>, vector<784x784xi32>
    %reduce_min3A_49 = arith.constant dense<2147483647> : vector<784xi32>
    %reduce_min3A_50 = vector.multi_reduction <minsi>, %select_n3A_48, %reduce_min3A_49 [1] : vector<784x784xi32> to vector<784xi32>
    %swap3A_51 = arith.constant 2 : index
    %swap3A_52 = arith.constant 0 : index
    %swap3A_53 = vector.load %arg2[%swap3A_51, %swap3A_52] : memref<4x784xi32, #tpu.memory_space<vmem>>, vector<1x784xi32>
    %swap3A_54 = vector.shape_cast %swap3A_53 : vector<1x784xi32> to vector<784xi32>
    %swap3A_55 = vector.shape_cast %reduce_min3A_50 : vector<784xi32> to vector<1x784xi32>
    tpu.vector_store %arg2[%swap3A_51, %swap3A_52], %swap3A_55 {strides = array<i32>} : memref<4x784xi32, #tpu.memory_space<vmem>>, vector<1x784xi32>,
    %broadcast_in_dim3A_56 = vector.shape_cast %reduce_min3A_50 : vector<784xi32> to vector<784x1xi32>
    %eq3A_57 = vector.broadcast %broadcast_in_dim3A_56 : vector<784x1xi32> to vector<784x784xi32>
    %eq3A_58 = arith.cmpi eq, %iota3A, %eq3A_57 : vector<784x784xi32>
    %jit3A_59 = arith.constant 0xFF800000 : f32
    %broadcast_in_dim3A_60 = vector.broadcast %jit3A_59 : f32 to vector<784x784xf32>
    %select_n3A_61 = arith.select %eq3A_58, %broadcast_in_dim3A_60, %select_n3A_40 : vector<784x784xi1>, vector<784x784xf32>
    %reduce_max3A_62 = arith.constant dense<0xFF800000> : vector<784xf32>
    %reduce_max3A_63 = vector.multi_reduction <maximumf>, %select_n3A_61, %reduce_max3A_62 [1] : vector<784x784xf32> to vector<784xf32>
    %broadcast_in_dim3A_64 = vector.shape_cast %reduce_max3A_63 : vector<784xf32> to vector<784x1xf32>
    %eq3A_65 = vector.broadcast %broadcast_in_dim3A_64 : vector<784x1xf32> to vector<784x784xf32>
    %eq3A_66 = arith.cmpf oeq, %select_n3A_61, %eq3A_65 : vector<784x784xf32>
    %jit3A_67 = arith.constant 784 : i32
    %broadcast_in_dim3A_68 = vector.broadcast %jit3A_67 : i32 to vector<784x784xi32>
    %select_n3A_69 = arith.select %eq3A_66, %iota3A, %broadcast_in_dim3A_68 : vector<784x784xi1>, vector<784x784xi32>
    %reduce_min3A_70 = arith.constant dense<2147483647> : vector<784xi32>
    %reduce_min3A_71 = vector.multi_reduction <minsi>, %select_n3A_69, %reduce_min3A_70 [1] : vector<784x784xi32> to vector<784xi32>
    %swap3A_72 = arith.constant 3 : index
    %swap3A_73 = arith.constant 0 : index
    %swap3A_74 = vector.load %arg2[%swap3A_72, %swap3A_73] : memref<4x784xi32, #tpu.memory_space<vmem>>, vector<1x784xi32>
    %swap3A_75 = vector.shape_cast %swap3A_74 : vector<1x784xi32> to vector<784xi32>
    %swap3A_76 = vector.shape_cast %reduce_min3A_71 : vector<784xi32> to vector<1x784xi32>
    tpu.vector_store %arg2[%swap3A_72, %swap3A_73], %swap3A_76 {strides = array<i32>} : memref<4x784xi32, #tpu.memory_space<vmem>>, vector<1x784xi32>,
    return
  }
}

module attributes {stable_mosaic.version = 14 : i64} {
  func.func @_qkv_body(%arg0: i32, %arg1: memref<16x64x192xf32, #tpu.memory_space<vmem>>, %arg2: memref<192x576xf32, #tpu.memory_space<vmem>>, %arg3: memref<1x576xf32, #tpu.memory_space<vmem>>, %arg4: memref<16x64x192xf32, #tpu.memory_space<vmem>>, %arg5: memref<16x64x192xf32, #tpu.memory_space<vmem>>, %arg6: memref<16x64x192xf32, #tpu.memory_space<vmem>>, %arg7: memref<16x192xf32, #tpu.memory_space<vmem>>, %arg8: memref<16x192xf32, #tpu.memory_space<vmem>>) attributes {dimension_semantics = [#tpu.dimension_semantics<arbitrary>], iteration_bounds = array<i64: 49>, scalar_prefetch = 0 : i64, scratch_operands = 0 : i64, tpu.core_type = #tpu.core_type<tc>, window_params = [{transform_indices = @transform_0, window_bounds = array<i64: 16, 64, 192>}, {pipeline_mode = #tpu.pipeline_mode<synchronous>, transform_indices = @transform_1, window_bounds = array<i64: 192, 576>}, {pipeline_mode = #tpu.pipeline_mode<synchronous>, transform_indices = @transform_2, window_bounds = array<i64: 1, 576>}, {transform_indices = @transform_3, window_bounds = array<i64: 16, 64, 192>}, {transform_indices = @transform_4, window_bounds = array<i64: 16, 64, 192>}, {transform_indices = @transform_5, window_bounds = array<i64: 16, 64, 192>}, {transform_indices = @transform_6, window_bounds = array<i64: 16, 192>}, {transform_indices = @transform_7, window_bounds = array<i64: 16, 192>}]} {
    %get3A = arith.constant 0 : index
    %get3A_0 = arith.constant 0 : index
    %get3A_1 = arith.constant 0 : index
    %get3A_2 = vector.load %arg1[%get3A, %get3A_0, %get3A_1] : memref<16x64x192xf32, #tpu.memory_space<vmem>>, vector<16x64x192xf32>
    %reshape3A = vector.shape_cast %get3A_2 : vector<16x64x192xf32> to vector<1024x192xf32>
    %get3A_3 = arith.constant 0 : index
    %get3A_4 = arith.constant 0 : index
    %get3A_5 = vector.load %arg2[%get3A_3, %get3A_4] : memref<192x576xf32, #tpu.memory_space<vmem>>, vector<192x576xf32>
    %dot_general3A = arith.constant dense<0.000000e+00> : vector<1024x576xf32>
    %dot_general3A_6 = tpu.matmul %reshape3A, %get3A_5, %dot_general3A {dimension_numbers = #tpu.dot_dimension_numbers<[1], [0], [0], [1], [0, 0, 1, 1], [], []>, transpose_lhs_hint = false} : vector<1024x192xf32>, vector<192x576xf32>, vector<1024x576xf32> -> vector<1024x576xf32>
    %get3A_7 = arith.constant 0 : index
    %get3A_8 = arith.constant 0 : index
    %get3A_9 = vector.load %arg3[%get3A_7, %get3A_8] : memref<1x576xf32, #tpu.memory_space<vmem>>, vector<1x576xf32>
    %add3A = vector.broadcast %get3A_9 : vector<1x576xf32> to vector<1024x576xf32>
    %add3A_10 = arith.addf %dot_general3A_6, %add3A : vector<1024x576xf32>
    %slice3A = vector.extract_strided_slice %add3A_10 {offsets = [0, 0], sizes = [1024, 192], strides = [1, 1]} : vector<1024x576xf32> to vector<1024x192xf32>
    %reshape3A_11 = vector.shape_cast %slice3A : vector<1024x192xf32> to vector<16x64x192xf32>
    %slice3A_12 = vector.extract_strided_slice %add3A_10 {offsets = [0, 192], sizes = [1024, 192], strides = [1, 1]} : vector<1024x576xf32> to vector<1024x192xf32>
    %reshape3A_13 = vector.shape_cast %slice3A_12 : vector<1024x192xf32> to vector<16x64x192xf32>
    %slice3A_14 = vector.extract_strided_slice %add3A_10 {offsets = [0, 384], sizes = [1024, 192], strides = [1, 1]} : vector<1024x576xf32> to vector<1024x192xf32>
    %reshape3A_15 = vector.shape_cast %slice3A_14 : vector<1024x192xf32> to vector<16x64x192xf32>
    %swap3A = arith.constant 0 : index
    %swap3A_16 = arith.constant 0 : index
    %swap3A_17 = arith.constant 0 : index
    %swap3A_18 = vector.load %arg4[%swap3A, %swap3A_16, %swap3A_17] : memref<16x64x192xf32, #tpu.memory_space<vmem>>, vector<16x64x192xf32>
    tpu.vector_store %arg4[%swap3A, %swap3A_16, %swap3A_17], %reshape3A_11 {strides = array<i32>} : memref<16x64x192xf32, #tpu.memory_space<vmem>>, vector<16x64x192xf32>,
    %swap3A_19 = arith.constant 0 : index
    %swap3A_20 = arith.constant 0 : index
    %swap3A_21 = arith.constant 0 : index
    %swap3A_22 = vector.load %arg5[%swap3A_19, %swap3A_20, %swap3A_21] : memref<16x64x192xf32, #tpu.memory_space<vmem>>, vector<16x64x192xf32>
    tpu.vector_store %arg5[%swap3A_19, %swap3A_20, %swap3A_21], %reshape3A_13 {strides = array<i32>} : memref<16x64x192xf32, #tpu.memory_space<vmem>>, vector<16x64x192xf32>,
    %swap3A_23 = arith.constant 0 : index
    %swap3A_24 = arith.constant 0 : index
    %swap3A_25 = arith.constant 0 : index
    %swap3A_26 = vector.load %arg6[%swap3A_23, %swap3A_24, %swap3A_25] : memref<16x64x192xf32, #tpu.memory_space<vmem>>, vector<16x64x192xf32>
    tpu.vector_store %arg6[%swap3A_23, %swap3A_24, %swap3A_25], %reshape3A_15 {strides = array<i32>} : memref<16x64x192xf32, #tpu.memory_space<vmem>>, vector<16x64x192xf32>,
    %reduce_sum3A = arith.constant dense<0.000000e+00> : vector<16x192xf32>
    %reduce_sum3A_27 = vector.multi_reduction <add>, %reshape3A_11, %reduce_sum3A [1] : vector<16x64x192xf32> to vector<16x192xf32>
    %div3A = arith.constant 6.400000e+01 : f32
    %div3A_28 = vector.broadcast %div3A : f32 to vector<16x192xf32>
    %div3A_29 = arith.divf %reduce_sum3A_27, %div3A_28 : vector<16x192xf32>
    %swap3A_30 = arith.constant 0 : index
    %swap3A_31 = arith.constant 0 : index
    %swap3A_32 = vector.load %arg7[%swap3A_30, %swap3A_31] : memref<16x192xf32, #tpu.memory_space<vmem>>, vector<16x192xf32>
    tpu.vector_store %arg7[%swap3A_30, %swap3A_31], %div3A_29 {strides = array<i32>} : memref<16x192xf32, #tpu.memory_space<vmem>>, vector<16x192xf32>,
    %reduce_sum3A_33 = arith.constant dense<0.000000e+00> : vector<16x192xf32>
    %reduce_sum3A_34 = vector.multi_reduction <add>, %reshape3A_13, %reduce_sum3A_33 [1] : vector<16x64x192xf32> to vector<16x192xf32>
    %div3A_35 = arith.constant 6.400000e+01 : f32
    %div3A_36 = vector.broadcast %div3A_35 : f32 to vector<16x192xf32>
    %div3A_37 = arith.divf %reduce_sum3A_34, %div3A_36 : vector<16x192xf32>
    %swap3A_38 = arith.constant 0 : index
    %swap3A_39 = arith.constant 0 : index
    %swap3A_40 = vector.load %arg8[%swap3A_38, %swap3A_39] : memref<16x192xf32, #tpu.memory_space<vmem>>, vector<16x192xf32>
    tpu.vector_store %arg8[%swap3A_38, %swap3A_39], %div3A_37 {strides = array<i32>} : memref<16x192xf32, #tpu.memory_space<vmem>>, vector<16x192xf32>,
    return
  }
  func.func @transform_0(%arg0: i32) -> (i32, i32, i32) {
    %c0_i32 = arith.constant 0 : i32
    %c0_i32_0 = arith.constant 0 : i32
    %c0_i32_1 = arith.constant 0 : i32
    return %arg0, %c0_i32, %c0_i32_0 : i32, i32, i32
  }
  func.func @transform_1(%arg0: i32) -> (i32, i32) {
    %c0_i32 = arith.constant 0 : i32
    %c0_i32_0 = arith.constant 0 : i32
    %c0_i32_1 = arith.constant 0 : i32
    return %c0_i32, %c0_i32_0 : i32, i32
  }
  func.func @transform_2(%arg0: i32) -> (i32, i32) {
    %c0_i32 = arith.constant 0 : i32
    %c0_i32_0 = arith.constant 0 : i32
    %c0_i32_1 = arith.constant 0 : i32
    return %c0_i32, %c0_i32_0 : i32, i32
  }
  func.func @transform_3(%arg0: i32) -> (i32, i32, i32) {
    %c0_i32 = arith.constant 0 : i32
    %c0_i32_0 = arith.constant 0 : i32
    %c0_i32_1 = arith.constant 0 : i32
    return %arg0, %c0_i32, %c0_i32_0 : i32, i32, i32
  }
  func.func @transform_4(%arg0: i32) -> (i32, i32, i32) {
    %c0_i32 = arith.constant 0 : i32
    %c0_i32_0 = arith.constant 0 : i32
    %c0_i32_1 = arith.constant 0 : i32
    return %arg0, %c0_i32, %c0_i32_0 : i32, i32, i32
  }
  func.func @transform_5(%arg0: i32) -> (i32, i32, i32) {
    %c0_i32 = arith.constant 0 : i32
    %c0_i32_0 = arith.constant 0 : i32
    %c0_i32_1 = arith.constant 0 : i32
    return %arg0, %c0_i32, %c0_i32_0 : i32, i32, i32
  }
  func.func @transform_6(%arg0: i32) -> (i32, i32) {
    %c0_i32 = arith.constant 0 : i32
    %c0_i32_0 = arith.constant 0 : i32
    return %arg0, %c0_i32 : i32, i32
  }
  func.func @transform_7(%arg0: i32) -> (i32, i32) {
    %c0_i32 = arith.constant 0 : i32
    %c0_i32_0 = arith.constant 0 : i32
    return %arg0, %c0_i32 : i32, i32
  }
}

module attributes {stable_mosaic.version = 14 : i64} {
  func.func @_attn_body(%arg0: i32, %arg1: memref<4x784xi32, #tpu.memory_space<smem>>, %arg2: memref<1x64x192xf32, #tpu.memory_space<vmem>>, %arg3: memref<1x64x192xf32, #tpu.memory_space<vmem>>, %arg4: memref<1x64x192xf32, #tpu.memory_space<vmem>>, %arg5: memref<1x64x192xf32, #tpu.memory_space<vmem>>, %arg6: memref<1x64x192xf32, #tpu.memory_space<vmem>>, %arg7: memref<1x64x192xf32, #tpu.memory_space<vmem>>, %arg8: memref<1x64x192xf32, #tpu.memory_space<vmem>>, %arg9: memref<1x64x192xf32, #tpu.memory_space<vmem>>, %arg10: memref<1x64x192xf32, #tpu.memory_space<vmem>>, %arg11: memref<1x64x192xf32, #tpu.memory_space<vmem>>) attributes {dimension_semantics = [#tpu.dimension_semantics<arbitrary>], iteration_bounds = array<i64: 784>, scalar_prefetch = 1 : i64, scratch_operands = 0 : i64, tpu.core_type = #tpu.core_type<tc>, window_params = [{transform_indices = @transform_0, window_bounds = array<i64: 1, 64, 192>}, {transform_indices = @transform_1, window_bounds = array<i64: 1, 64, 192>}, {transform_indices = @transform_2, window_bounds = array<i64: 1, 64, 192>}, {transform_indices = @transform_3, window_bounds = array<i64: 1, 64, 192>}, {transform_indices = @transform_4, window_bounds = array<i64: 1, 64, 192>}, {transform_indices = @transform_5, window_bounds = array<i64: 1, 64, 192>}, {transform_indices = @transform_6, window_bounds = array<i64: 1, 64, 192>}, {transform_indices = @transform_7, window_bounds = array<i64: 1, 64, 192>}, {transform_indices = @transform_8, window_bounds = array<i64: 1, 64, 192>}, {transform_indices = @transform_9, window_bounds = array<i64: 1, 64, 192>}]} {
    %get3A = arith.constant 0 : index
    %get3A_0 = arith.constant 0 : index
    %get3A_1 = arith.constant 0 : index
    %get3A_2 = vector.load %arg2[%get3A, %get3A_0, %get3A_1] : memref<1x64x192xf32, #tpu.memory_space<vmem>>, vector<1x64x192xf32>
    %get3A_3 = vector.shape_cast %get3A_2 : vector<1x64x192xf32> to vector<64x192xf32>
    %mul3A = arith.constant 0.0721687824 : f32
    %mul3A_4 = vector.broadcast %mul3A : f32 to vector<64x192xf32>
    %mul3A_5 = arith.mulf %get3A_3, %mul3A_4 : vector<64x192xf32>
    %get3A_6 = arith.constant 0 : index
    %get3A_7 = arith.constant 0 : index
    %get3A_8 = arith.constant 0 : index
    %get3A_9 = vector.load %arg3[%get3A_6, %get3A_7, %get3A_8] : memref<1x64x192xf32, #tpu.memory_space<vmem>>, vector<1x64x192xf32>
    %get3A_10 = vector.shape_cast %get3A_9 : vector<1x64x192xf32> to vector<64x192xf32>
    %get3A_11 = arith.constant 0 : index
    %get3A_12 = arith.constant 0 : index
    %get3A_13 = arith.constant 0 : index
    %get3A_14 = vector.load %arg4[%get3A_11, %get3A_12, %get3A_13] : memref<1x64x192xf32, #tpu.memory_space<vmem>>, vector<1x64x192xf32>
    %get3A_15 = vector.shape_cast %get3A_14 : vector<1x64x192xf32> to vector<64x192xf32>
    %get3A_16 = arith.constant 0 : index
    %get3A_17 = arith.constant 0 : index
    %get3A_18 = arith.constant 0 : index
    %get3A_19 = vector.load %arg5[%get3A_16, %get3A_17, %get3A_18] : memref<1x64x192xf32, #tpu.memory_space<vmem>>, vector<1x64x192xf32>
    %get3A_20 = vector.shape_cast %get3A_19 : vector<1x64x192xf32> to vector<64x192xf32>
    %get3A_21 = arith.constant 0 : index
    %get3A_22 = arith.constant 0 : index
    %get3A_23 = arith.constant 0 : index
    %get3A_24 = vector.load %arg6[%get3A_21, %get3A_22, %get3A_23] : memref<1x64x192xf32, #tpu.memory_space<vmem>>, vector<1x64x192xf32>
    %get3A_25 = vector.shape_cast %get3A_24 : vector<1x64x192xf32> to vector<64x192xf32>
    %concatenate3A = tpu.concatenate %get3A_10, %get3A_15, %get3A_20, %get3A_25 in 0 : vector<64x192xf32>, vector<64x192xf32>, vector<64x192xf32>, vector<64x192xf32> -> vector<256x192xf32>
    %get3A_26 = arith.constant 0 : index
    %get3A_27 = arith.constant 0 : index
    %get3A_28 = arith.constant 0 : index
    %get3A_29 = vector.load %arg7[%get3A_26, %get3A_27, %get3A_28] : memref<1x64x192xf32, #tpu.memory_space<vmem>>, vector<1x64x192xf32>
    %get3A_30 = vector.shape_cast %get3A_29 : vector<1x64x192xf32> to vector<64x192xf32>
    %get3A_31 = arith.constant 0 : index
    %get3A_32 = arith.constant 0 : index
    %get3A_33 = arith.constant 0 : index
    %get3A_34 = vector.load %arg8[%get3A_31, %get3A_32, %get3A_33] : memref<1x64x192xf32, #tpu.memory_space<vmem>>, vector<1x64x192xf32>
    %get3A_35 = vector.shape_cast %get3A_34 : vector<1x64x192xf32> to vector<64x192xf32>
    %get3A_36 = arith.constant 0 : index
    %get3A_37 = arith.constant 0 : index
    %get3A_38 = arith.constant 0 : index
    %get3A_39 = vector.load %arg9[%get3A_36, %get3A_37, %get3A_38] : memref<1x64x192xf32, #tpu.memory_space<vmem>>, vector<1x64x192xf32>
    %get3A_40 = vector.shape_cast %get3A_39 : vector<1x64x192xf32> to vector<64x192xf32>
    %get3A_41 = arith.constant 0 : index
    %get3A_42 = arith.constant 0 : index
    %get3A_43 = arith.constant 0 : index
    %get3A_44 = vector.load %arg10[%get3A_41, %get3A_42, %get3A_43] : memref<1x64x192xf32, #tpu.memory_space<vmem>>, vector<1x64x192xf32>
    %get3A_45 = vector.shape_cast %get3A_44 : vector<1x64x192xf32> to vector<64x192xf32>
    %concatenate3A_46 = tpu.concatenate %get3A_30, %get3A_35, %get3A_40, %get3A_45 in 0 : vector<64x192xf32>, vector<64x192xf32>, vector<64x192xf32>, vector<64x192xf32> -> vector<256x192xf32>
    %slice3A = vector.extract_strided_slice %mul3A_5 {offsets = [0, 0], sizes = [64, 24], strides = [1, 1]} : vector<64x192xf32> to vector<64x24xf32>
    %slice3A_47 = vector.extract_strided_slice %concatenate3A {offsets = [0, 0], sizes = [256, 24], strides = [1, 1]} : vector<256x192xf32> to vector<256x24xf32>
    %dot_general3A = arith.constant dense<0.000000e+00> : vector<64x256xf32>
    %dot_general3A_48 = tpu.matmul %slice3A, %slice3A_47, %dot_general3A {dimension_numbers = #tpu.dot_dimension_numbers<[1], [1], [0], [0], [0, 0, 1, 0], [], []>, transpose_lhs_hint = false} : vector<64x24xf32>, vector<256x24xf32>, vector<64x256xf32> -> vector<64x256xf32>
    %reduce_max3A = arith.constant dense<0xFF800000> : vector<64xf32>
    %reduce_max3A_49 = vector.multi_reduction <maximumf>, %dot_general3A_48, %reduce_max3A [1] : vector<64x256xf32> to vector<64xf32>
    %broadcast_in_dim3A = vector.shape_cast %reduce_max3A_49 : vector<64xf32> to vector<64x1xf32>
    %sub3A = vector.broadcast %broadcast_in_dim3A : vector<64x1xf32> to vector<64x256xf32>
    %sub3A_50 = arith.subf %dot_general3A_48, %sub3A : vector<64x256xf32>
    %exp3A = math.exp %sub3A_50 : vector<64x256xf32>
    %reduce_sum3A = arith.constant dense<0.000000e+00> : vector<64xf32>
    %reduce_sum3A_51 = vector.multi_reduction <add>, %exp3A, %reduce_sum3A [1] : vector<64x256xf32> to vector<64xf32>
    %broadcast_in_dim3A_52 = vector.shape_cast %reduce_sum3A_51 : vector<64xf32> to vector<64x1xf32>
    %div3A = vector.broadcast %broadcast_in_dim3A_52 : vector<64x1xf32> to vector<64x256xf32>
    %div3A_53 = arith.divf %exp3A, %div3A : vector<64x256xf32>
    %slice3A_54 = vector.extract_strided_slice %concatenate3A_46 {offsets = [0, 0], sizes = [256, 24], strides = [1, 1]} : vector<256x192xf32> to vector<256x24xf32>
    %dot_general3A_55 = arith.constant dense<0.000000e+00> : vector<64x24xf32>
    %dot_general3A_56 = tpu.matmul %div3A_53, %slice3A_54, %dot_general3A_55 {dimension_numbers = #tpu.dot_dimension_numbers<[1], [0], [0], [1], [0, 0, 1, 1], [], []>, transpose_lhs_hint = false} : vector<64x256xf32>, vector<256x24xf32>, vector<64x24xf32> -> vector<64x24xf32>
    %slice3A_57 = vector.extract_strided_slice %mul3A_5 {offsets = [0, 24], sizes = [64, 24], strides = [1, 1]} : vector<64x192xf32> to vector<64x24xf32>
    %slice3A_58 = vector.extract_strided_slice %concatenate3A {offsets = [0, 24], sizes = [256, 24], strides = [1, 1]} : vector<256x192xf32> to vector<256x24xf32>
    %dot_general3A_59 = arith.constant dense<0.000000e+00> : vector<64x256xf32>
    %dot_general3A_60 = tpu.matmul %slice3A_57, %slice3A_58, %dot_general3A_59 {dimension_numbers = #tpu.dot_dimension_numbers<[1], [1], [0], [0], [0, 0, 1, 0], [], []>, transpose_lhs_hint = false} : vector<64x24xf32>, vector<256x24xf32>, vector<64x256xf32> -> vector<64x256xf32>
    %reduce_max3A_61 = arith.constant dense<0xFF800000> : vector<64xf32>
    %reduce_max3A_62 = vector.multi_reduction <maximumf>, %dot_general3A_60, %reduce_max3A_61 [1] : vector<64x256xf32> to vector<64xf32>
    %broadcast_in_dim3A_63 = vector.shape_cast %reduce_max3A_62 : vector<64xf32> to vector<64x1xf32>
    %sub3A_64 = vector.broadcast %broadcast_in_dim3A_63 : vector<64x1xf32> to vector<64x256xf32>
    %sub3A_65 = arith.subf %dot_general3A_60, %sub3A_64 : vector<64x256xf32>
    %exp3A_66 = math.exp %sub3A_65 : vector<64x256xf32>
    %reduce_sum3A_67 = arith.constant dense<0.000000e+00> : vector<64xf32>
    %reduce_sum3A_68 = vector.multi_reduction <add>, %exp3A_66, %reduce_sum3A_67 [1] : vector<64x256xf32> to vector<64xf32>
    %broadcast_in_dim3A_69 = vector.shape_cast %reduce_sum3A_68 : vector<64xf32> to vector<64x1xf32>
    %div3A_70 = vector.broadcast %broadcast_in_dim3A_69 : vector<64x1xf32> to vector<64x256xf32>
    %div3A_71 = arith.divf %exp3A_66, %div3A_70 : vector<64x256xf32>
    %slice3A_72 = vector.extract_strided_slice %concatenate3A_46 {offsets = [0, 24], sizes = [256, 24], strides = [1, 1]} : vector<256x192xf32> to vector<256x24xf32>
    %dot_general3A_73 = arith.constant dense<0.000000e+00> : vector<64x24xf32>
    %dot_general3A_74 = tpu.matmul %div3A_71, %slice3A_72, %dot_general3A_73 {dimension_numbers = #tpu.dot_dimension_numbers<[1], [0], [0], [1], [0, 0, 1, 1], [], []>, transpose_lhs_hint = false} : vector<64x256xf32>, vector<256x24xf32>, vector<64x24xf32> -> vector<64x24xf32>
    %slice3A_75 = vector.extract_strided_slice %mul3A_5 {offsets = [0, 48], sizes = [64, 24], strides = [1, 1]} : vector<64x192xf32> to vector<64x24xf32>
    %slice3A_76 = vector.extract_strided_slice %concatenate3A {offsets = [0, 48], sizes = [256, 24], strides = [1, 1]} : vector<256x192xf32> to vector<256x24xf32>
    %dot_general3A_77 = arith.constant dense<0.000000e+00> : vector<64x256xf32>
    %dot_general3A_78 = tpu.matmul %slice3A_75, %slice3A_76, %dot_general3A_77 {dimension_numbers = #tpu.dot_dimension_numbers<[1], [1], [0], [0], [0, 0, 1, 0], [], []>, transpose_lhs_hint = false} : vector<64x24xf32>, vector<256x24xf32>, vector<64x256xf32> -> vector<64x256xf32>
    %reduce_max3A_79 = arith.constant dense<0xFF800000> : vector<64xf32>
    %reduce_max3A_80 = vector.multi_reduction <maximumf>, %dot_general3A_78, %reduce_max3A_79 [1] : vector<64x256xf32> to vector<64xf32>
    %broadcast_in_dim3A_81 = vector.shape_cast %reduce_max3A_80 : vector<64xf32> to vector<64x1xf32>
    %sub3A_82 = vector.broadcast %broadcast_in_dim3A_81 : vector<64x1xf32> to vector<64x256xf32>
    %sub3A_83 = arith.subf %dot_general3A_78, %sub3A_82 : vector<64x256xf32>
    %exp3A_84 = math.exp %sub3A_83 : vector<64x256xf32>
    %reduce_sum3A_85 = arith.constant dense<0.000000e+00> : vector<64xf32>
    %reduce_sum3A_86 = vector.multi_reduction <add>, %exp3A_84, %reduce_sum3A_85 [1] : vector<64x256xf32> to vector<64xf32>
    %broadcast_in_dim3A_87 = vector.shape_cast %reduce_sum3A_86 : vector<64xf32> to vector<64x1xf32>
    %div3A_88 = vector.broadcast %broadcast_in_dim3A_87 : vector<64x1xf32> to vector<64x256xf32>
    %div3A_89 = arith.divf %exp3A_84, %div3A_88 : vector<64x256xf32>
    %slice3A_90 = vector.extract_strided_slice %concatenate3A_46 {offsets = [0, 48], sizes = [256, 24], strides = [1, 1]} : vector<256x192xf32> to vector<256x24xf32>
    %dot_general3A_91 = arith.constant dense<0.000000e+00> : vector<64x24xf32>
    %dot_general3A_92 = tpu.matmul %div3A_89, %slice3A_90, %dot_general3A_91 {dimension_numbers = #tpu.dot_dimension_numbers<[1], [0], [0], [1], [0, 0, 1, 1], [], []>, transpose_lhs_hint = false} : vector<64x256xf32>, vector<256x24xf32>, vector<64x24xf32> -> vector<64x24xf32>
    %slice3A_93 = vector.extract_strided_slice %mul3A_5 {offsets = [0, 72], sizes = [64, 24], strides = [1, 1]} : vector<64x192xf32> to vector<64x24xf32>
    %slice3A_94 = vector.extract_strided_slice %concatenate3A {offsets = [0, 72], sizes = [256, 24], strides = [1, 1]} : vector<256x192xf32> to vector<256x24xf32>
    %dot_general3A_95 = arith.constant dense<0.000000e+00> : vector<64x256xf32>
    %dot_general3A_96 = tpu.matmul %slice3A_93, %slice3A_94, %dot_general3A_95 {dimension_numbers = #tpu.dot_dimension_numbers<[1], [1], [0], [0], [0, 0, 1, 0], [], []>, transpose_lhs_hint = false} : vector<64x24xf32>, vector<256x24xf32>, vector<64x256xf32> -> vector<64x256xf32>
    %reduce_max3A_97 = arith.constant dense<0xFF800000> : vector<64xf32>
    %reduce_max3A_98 = vector.multi_reduction <maximumf>, %dot_general3A_96, %reduce_max3A_97 [1] : vector<64x256xf32> to vector<64xf32>
    %broadcast_in_dim3A_99 = vector.shape_cast %reduce_max3A_98 : vector<64xf32> to vector<64x1xf32>
    %sub3A_100 = vector.broadcast %broadcast_in_dim3A_99 : vector<64x1xf32> to vector<64x256xf32>
    %sub3A_101 = arith.subf %dot_general3A_96, %sub3A_100 : vector<64x256xf32>
    %exp3A_102 = math.exp %sub3A_101 : vector<64x256xf32>
    %reduce_sum3A_103 = arith.constant dense<0.000000e+00> : vector<64xf32>
    %reduce_sum3A_104 = vector.multi_reduction <add>, %exp3A_102, %reduce_sum3A_103 [1] : vector<64x256xf32> to vector<64xf32>
    %broadcast_in_dim3A_105 = vector.shape_cast %reduce_sum3A_104 : vector<64xf32> to vector<64x1xf32>
    %div3A_106 = vector.broadcast %broadcast_in_dim3A_105 : vector<64x1xf32> to vector<64x256xf32>
    %div3A_107 = arith.divf %exp3A_102, %div3A_106 : vector<64x256xf32>
    %slice3A_108 = vector.extract_strided_slice %concatenate3A_46 {offsets = [0, 72], sizes = [256, 24], strides = [1, 1]} : vector<256x192xf32> to vector<256x24xf32>
    %dot_general3A_109 = arith.constant dense<0.000000e+00> : vector<64x24xf32>
    %dot_general3A_110 = tpu.matmul %div3A_107, %slice3A_108, %dot_general3A_109 {dimension_numbers = #tpu.dot_dimension_numbers<[1], [0], [0], [1], [0, 0, 1, 1], [], []>, transpose_lhs_hint = false} : vector<64x256xf32>, vector<256x24xf32>, vector<64x24xf32> -> vector<64x24xf32>
    %slice3A_111 = vector.extract_strided_slice %mul3A_5 {offsets = [0, 96], sizes = [64, 24], strides = [1, 1]} : vector<64x192xf32> to vector<64x24xf32>
    %slice3A_112 = vector.extract_strided_slice %concatenate3A {offsets = [0, 96], sizes = [256, 24], strides = [1, 1]} : vector<256x192xf32> to vector<256x24xf32>
    %dot_general3A_113 = arith.constant dense<0.000000e+00> : vector<64x256xf32>
    %dot_general3A_114 = tpu.matmul %slice3A_111, %slice3A_112, %dot_general3A_113 {dimension_numbers = #tpu.dot_dimension_numbers<[1], [1], [0], [0], [0, 0, 1, 0], [], []>, transpose_lhs_hint = false} : vector<64x24xf32>, vector<256x24xf32>, vector<64x256xf32> -> vector<64x256xf32>
    %reduce_max3A_115 = arith.constant dense<0xFF800000> : vector<64xf32>
    %reduce_max3A_116 = vector.multi_reduction <maximumf>, %dot_general3A_114, %reduce_max3A_115 [1] : vector<64x256xf32> to vector<64xf32>
    %broadcast_in_dim3A_117 = vector.shape_cast %reduce_max3A_116 : vector<64xf32> to vector<64x1xf32>
    %sub3A_118 = vector.broadcast %broadcast_in_dim3A_117 : vector<64x1xf32> to vector<64x256xf32>
    %sub3A_119 = arith.subf %dot_general3A_114, %sub3A_118 : vector<64x256xf32>
    %exp3A_120 = math.exp %sub3A_119 : vector<64x256xf32>
    %reduce_sum3A_121 = arith.constant dense<0.000000e+00> : vector<64xf32>
    %reduce_sum3A_122 = vector.multi_reduction <add>, %exp3A_120, %reduce_sum3A_121 [1] : vector<64x256xf32> to vector<64xf32>
    %broadcast_in_dim3A_123 = vector.shape_cast %reduce_sum3A_122 : vector<64xf32> to vector<64x1xf32>
    %div3A_124 = vector.broadcast %broadcast_in_dim3A_123 : vector<64x1xf32> to vector<64x256xf32>
    %div3A_125 = arith.divf %exp3A_120, %div3A_124 : vector<64x256xf32>
    %slice3A_126 = vector.extract_strided_slice %concatenate3A_46 {offsets = [0, 96], sizes = [256, 24], strides = [1, 1]} : vector<256x192xf32> to vector<256x24xf32>
    %dot_general3A_127 = arith.constant dense<0.000000e+00> : vector<64x24xf32>
    %dot_general3A_128 = tpu.matmul %div3A_125, %slice3A_126, %dot_general3A_127 {dimension_numbers = #tpu.dot_dimension_numbers<[1], [0], [0], [1], [0, 0, 1, 1], [], []>, transpose_lhs_hint = false} : vector<64x256xf32>, vector<256x24xf32>, vector<64x24xf32> -> vector<64x24xf32>
    %slice3A_129 = vector.extract_strided_slice %mul3A_5 {offsets = [0, 120], sizes = [64, 24], strides = [1, 1]} : vector<64x192xf32> to vector<64x24xf32>
    %slice3A_130 = vector.extract_strided_slice %concatenate3A {offsets = [0, 120], sizes = [256, 24], strides = [1, 1]} : vector<256x192xf32> to vector<256x24xf32>
    %dot_general3A_131 = arith.constant dense<0.000000e+00> : vector<64x256xf32>
    %dot_general3A_132 = tpu.matmul %slice3A_129, %slice3A_130, %dot_general3A_131 {dimension_numbers = #tpu.dot_dimension_numbers<[1], [1], [0], [0], [0, 0, 1, 0], [], []>, transpose_lhs_hint = false} : vector<64x24xf32>, vector<256x24xf32>, vector<64x256xf32> -> vector<64x256xf32>
    %reduce_max3A_133 = arith.constant dense<0xFF800000> : vector<64xf32>
    %reduce_max3A_134 = vector.multi_reduction <maximumf>, %dot_general3A_132, %reduce_max3A_133 [1] : vector<64x256xf32> to vector<64xf32>
    %broadcast_in_dim3A_135 = vector.shape_cast %reduce_max3A_134 : vector<64xf32> to vector<64x1xf32>
    %sub3A_136 = vector.broadcast %broadcast_in_dim3A_135 : vector<64x1xf32> to vector<64x256xf32>
    %sub3A_137 = arith.subf %dot_general3A_132, %sub3A_136 : vector<64x256xf32>
    %exp3A_138 = math.exp %sub3A_137 : vector<64x256xf32>
    %reduce_sum3A_139 = arith.constant dense<0.000000e+00> : vector<64xf32>
    %reduce_sum3A_140 = vector.multi_reduction <add>, %exp3A_138, %reduce_sum3A_139 [1] : vector<64x256xf32> to vector<64xf32>
    %broadcast_in_dim3A_141 = vector.shape_cast %reduce_sum3A_140 : vector<64xf32> to vector<64x1xf32>
    %div3A_142 = vector.broadcast %broadcast_in_dim3A_141 : vector<64x1xf32> to vector<64x256xf32>
    %div3A_143 = arith.divf %exp3A_138, %div3A_142 : vector<64x256xf32>
    %slice3A_144 = vector.extract_strided_slice %concatenate3A_46 {offsets = [0, 120], sizes = [256, 24], strides = [1, 1]} : vector<256x192xf32> to vector<256x24xf32>
    %dot_general3A_145 = arith.constant dense<0.000000e+00> : vector<64x24xf32>
    %dot_general3A_146 = tpu.matmul %div3A_143, %slice3A_144, %dot_general3A_145 {dimension_numbers = #tpu.dot_dimension_numbers<[1], [0], [0], [1], [0, 0, 1, 1], [], []>, transpose_lhs_hint = false} : vector<64x256xf32>, vector<256x24xf32>, vector<64x24xf32> -> vector<64x24xf32>
    %slice3A_147 = vector.extract_strided_slice %mul3A_5 {offsets = [0, 144], sizes = [64, 24], strides = [1, 1]} : vector<64x192xf32> to vector<64x24xf32>
    %slice3A_148 = vector.extract_strided_slice %concatenate3A {offsets = [0, 144], sizes = [256, 24], strides = [1, 1]} : vector<256x192xf32> to vector<256x24xf32>
    %dot_general3A_149 = arith.constant dense<0.000000e+00> : vector<64x256xf32>
    %dot_general3A_150 = tpu.matmul %slice3A_147, %slice3A_148, %dot_general3A_149 {dimension_numbers = #tpu.dot_dimension_numbers<[1], [1], [0], [0], [0, 0, 1, 0], [], []>, transpose_lhs_hint = false} : vector<64x24xf32>, vector<256x24xf32>, vector<64x256xf32> -> vector<64x256xf32>
    %reduce_max3A_151 = arith.constant dense<0xFF800000> : vector<64xf32>
    %reduce_max3A_152 = vector.multi_reduction <maximumf>, %dot_general3A_150, %reduce_max3A_151 [1] : vector<64x256xf32> to vector<64xf32>
    %broadcast_in_dim3A_153 = vector.shape_cast %reduce_max3A_152 : vector<64xf32> to vector<64x1xf32>
    %sub3A_154 = vector.broadcast %broadcast_in_dim3A_153 : vector<64x1xf32> to vector<64x256xf32>
    %sub3A_155 = arith.subf %dot_general3A_150, %sub3A_154 : vector<64x256xf32>
    %exp3A_156 = math.exp %sub3A_155 : vector<64x256xf32>
    %reduce_sum3A_157 = arith.constant dense<0.000000e+00> : vector<64xf32>
    %reduce_sum3A_158 = vector.multi_reduction <add>, %exp3A_156, %reduce_sum3A_157 [1] : vector<64x256xf32> to vector<64xf32>
    %broadcast_in_dim3A_159 = vector.shape_cast %reduce_sum3A_158 : vector<64xf32> to vector<64x1xf32>
    %div3A_160 = vector.broadcast %broadcast_in_dim3A_159 : vector<64x1xf32> to vector<64x256xf32>
    %div3A_161 = arith.divf %exp3A_156, %div3A_160 : vector<64x256xf32>
    %slice3A_162 = vector.extract_strided_slice %concatenate3A_46 {offsets = [0, 144], sizes = [256, 24], strides = [1, 1]} : vector<256x192xf32> to vector<256x24xf32>
    %dot_general3A_163 = arith.constant dense<0.000000e+00> : vector<64x24xf32>
    %dot_general3A_164 = tpu.matmul %div3A_161, %slice3A_162, %dot_general3A_163 {dimension_numbers = #tpu.dot_dimension_numbers<[1], [0], [0], [1], [0, 0, 1, 1], [], []>, transpose_lhs_hint = false} : vector<64x256xf32>, vector<256x24xf32>, vector<64x24xf32> -> vector<64x24xf32>
    %slice3A_165 = vector.extract_strided_slice %mul3A_5 {offsets = [0, 168], sizes = [64, 24], strides = [1, 1]} : vector<64x192xf32> to vector<64x24xf32>
    %slice3A_166 = vector.extract_strided_slice %concatenate3A {offsets = [0, 168], sizes = [256, 24], strides = [1, 1]} : vector<256x192xf32> to vector<256x24xf32>
    %dot_general3A_167 = arith.constant dense<0.000000e+00> : vector<64x256xf32>
    %dot_general3A_168 = tpu.matmul %slice3A_165, %slice3A_166, %dot_general3A_167 {dimension_numbers = #tpu.dot_dimension_numbers<[1], [1], [0], [0], [0, 0, 1, 0], [], []>, transpose_lhs_hint = false} : vector<64x24xf32>, vector<256x24xf32>, vector<64x256xf32> -> vector<64x256xf32>
    %reduce_max3A_169 = arith.constant dense<0xFF800000> : vector<64xf32>
    %reduce_max3A_170 = vector.multi_reduction <maximumf>, %dot_general3A_168, %reduce_max3A_169 [1] : vector<64x256xf32> to vector<64xf32>
    %broadcast_in_dim3A_171 = vector.shape_cast %reduce_max3A_170 : vector<64xf32> to vector<64x1xf32>
    %sub3A_172 = vector.broadcast %broadcast_in_dim3A_171 : vector<64x1xf32> to vector<64x256xf32>
    %sub3A_173 = arith.subf %dot_general3A_168, %sub3A_172 : vector<64x256xf32>
    %exp3A_174 = math.exp %sub3A_173 : vector<64x256xf32>
    %reduce_sum3A_175 = arith.constant dense<0.000000e+00> : vector<64xf32>
    %reduce_sum3A_176 = vector.multi_reduction <add>, %exp3A_174, %reduce_sum3A_175 [1] : vector<64x256xf32> to vector<64xf32>
    %broadcast_in_dim3A_177 = vector.shape_cast %reduce_sum3A_176 : vector<64xf32> to vector<64x1xf32>
    %div3A_178 = vector.broadcast %broadcast_in_dim3A_177 : vector<64x1xf32> to vector<64x256xf32>
    %div3A_179 = arith.divf %exp3A_174, %div3A_178 : vector<64x256xf32>
    %slice3A_180 = vector.extract_strided_slice %concatenate3A_46 {offsets = [0, 168], sizes = [256, 24], strides = [1, 1]} : vector<256x192xf32> to vector<256x24xf32>
    %dot_general3A_181 = arith.constant dense<0.000000e+00> : vector<64x24xf32>
    %dot_general3A_182 = tpu.matmul %div3A_179, %slice3A_180, %dot_general3A_181 {dimension_numbers = #tpu.dot_dimension_numbers<[1], [0], [0], [1], [0, 0, 1, 1], [], []>, transpose_lhs_hint = false} : vector<64x256xf32>, vector<256x24xf32>, vector<64x24xf32> -> vector<64x24xf32>
    %concatenate3A_183 = tpu.concatenate %dot_general3A_56, %dot_general3A_74, %dot_general3A_92, %dot_general3A_110, %dot_general3A_128, %dot_general3A_146, %dot_general3A_164, %dot_general3A_182 in 1 : vector<64x24xf32>, vector<64x24xf32>, vector<64x24xf32>, vector<64x24xf32>, vector<64x24xf32>, vector<64x24xf32>, vector<64x24xf32>, vector<64x24xf32> -> vector<64x192xf32>
    %swap3A = arith.constant 0 : index
    %swap3A_184 = arith.constant 0 : index
    %swap3A_185 = arith.constant 0 : index
    %swap3A_186 = vector.load %arg11[%swap3A, %swap3A_184, %swap3A_185] : memref<1x64x192xf32, #tpu.memory_space<vmem>>, vector<1x64x192xf32>
    %swap3A_187 = vector.shape_cast %swap3A_186 : vector<1x64x192xf32> to vector<64x192xf32>
    %swap3A_188 = vector.shape_cast %concatenate3A_183 : vector<64x192xf32> to vector<1x64x192xf32>
    tpu.vector_store %arg11[%swap3A, %swap3A_184, %swap3A_185], %swap3A_188 {strides = array<i32>} : memref<1x64x192xf32, #tpu.memory_space<vmem>>, vector<1x64x192xf32>,
    return
  }
  func.func @transform_0(%arg0: i32, %arg1: memref<4x784xi32, #tpu.memory_space<smem>>) -> (i32, i32, i32) {
    %c0_i32 = arith.constant 0 : i32
    %c0_i32_0 = arith.constant 0 : i32
    %c0_i32_1 = arith.constant 0 : i32
    return %arg0, %c0_i32, %c0_i32_0 : i32, i32, i32
  }
  func.func @transform_1(%arg0: i32, %arg1: memref<4x784xi32, #tpu.memory_space<smem>>) -> (i32, i32, i32) {
    %get3A = arith.constant 0 : index
    %get3A_0 = arith.index_cast %arg0 : i32 to index
    %get3A_1 = memref.load %arg1[%get3A, %get3A_0] : memref<4x784xi32, #tpu.memory_space<smem>>
    %c0_i32 = arith.constant 0 : i32
    %c0_i32_2 = arith.constant 0 : i32
    %c0_i32_3 = arith.constant 0 : i32
    return %get3A_1, %c0_i32, %c0_i32_2 : i32, i32, i32
  }
  func.func @transform_2(%arg0: i32, %arg1: memref<4x784xi32, #tpu.memory_space<smem>>) -> (i32, i32, i32) {
    %get3A = arith.constant 1 : index
    %get3A_0 = arith.index_cast %arg0 : i32 to index
    %get3A_1 = memref.load %arg1[%get3A, %get3A_0] : memref<4x784xi32, #tpu.memory_space<smem>>
    %c0_i32 = arith.constant 0 : i32
    %c0_i32_2 = arith.constant 0 : i32
    %c0_i32_3 = arith.constant 0 : i32
    return %get3A_1, %c0_i32, %c0_i32_2 : i32, i32, i32
  }
  func.func @transform_3(%arg0: i32, %arg1: memref<4x784xi32, #tpu.memory_space<smem>>) -> (i32, i32, i32) {
    %get3A = arith.constant 2 : index
    %get3A_0 = arith.index_cast %arg0 : i32 to index
    %get3A_1 = memref.load %arg1[%get3A, %get3A_0] : memref<4x784xi32, #tpu.memory_space<smem>>
    %c0_i32 = arith.constant 0 : i32
    %c0_i32_2 = arith.constant 0 : i32
    %c0_i32_3 = arith.constant 0 : i32
    return %get3A_1, %c0_i32, %c0_i32_2 : i32, i32, i32
  }
  func.func @transform_4(%arg0: i32, %arg1: memref<4x784xi32, #tpu.memory_space<smem>>) -> (i32, i32, i32) {
    %get3A = arith.constant 3 : index
    %get3A_0 = arith.index_cast %arg0 : i32 to index
    %get3A_1 = memref.load %arg1[%get3A, %get3A_0] : memref<4x784xi32, #tpu.memory_space<smem>>
    %c0_i32 = arith.constant 0 : i32
    %c0_i32_2 = arith.constant 0 : i32
    %c0_i32_3 = arith.constant 0 : i32
    return %get3A_1, %c0_i32, %c0_i32_2 : i32, i32, i32
  }
  func.func @transform_5(%arg0: i32, %arg1: memref<4x784xi32, #tpu.memory_space<smem>>) -> (i32, i32, i32) {
    %get3A = arith.constant 0 : index
    %get3A_0 = arith.index_cast %arg0 : i32 to index
    %get3A_1 = memref.load %arg1[%get3A, %get3A_0] : memref<4x784xi32, #tpu.memory_space<smem>>
    %c0_i32 = arith.constant 0 : i32
    %c0_i32_2 = arith.constant 0 : i32
    %c0_i32_3 = arith.constant 0 : i32
    return %get3A_1, %c0_i32, %c0_i32_2 : i32, i32, i32
  }
  func.func @transform_6(%arg0: i32, %arg1: memref<4x784xi32, #tpu.memory_space<smem>>) -> (i32, i32, i32) {
    %get3A = arith.constant 1 : index
    %get3A_0 = arith.index_cast %arg0 : i32 to index
    %get3A_1 = memref.load %arg1[%get3A, %get3A_0] : memref<4x784xi32, #tpu.memory_space<smem>>
    %c0_i32 = arith.constant 0 : i32
    %c0_i32_2 = arith.constant 0 : i32
    %c0_i32_3 = arith.constant 0 : i32
    return %get3A_1, %c0_i32, %c0_i32_2 : i32, i32, i32
  }
  func.func @transform_7(%arg0: i32, %arg1: memref<4x784xi32, #tpu.memory_space<smem>>) -> (i32, i32, i32) {
    %get3A = arith.constant 2 : index
    %get3A_0 = arith.index_cast %arg0 : i32 to index
    %get3A_1 = memref.load %arg1[%get3A, %get3A_0] : memref<4x784xi32, #tpu.memory_space<smem>>
    %c0_i32 = arith.constant 0 : i32
    %c0_i32_2 = arith.constant 0 : i32
    %c0_i32_3 = arith.constant 0 : i32
    return %get3A_1, %c0_i32, %c0_i32_2 : i32, i32, i32
  }
  func.func @transform_8(%arg0: i32, %arg1: memref<4x784xi32, #tpu.memory_space<smem>>) -> (i32, i32, i32) {
    %get3A = arith.constant 3 : index
    %get3A_0 = arith.index_cast %arg0 : i32 to index
    %get3A_1 = memref.load %arg1[%get3A, %get3A_0] : memref<4x784xi32, #tpu.memory_space<smem>>
    %c0_i32 = arith.constant 0 : i32
    %c0_i32_2 = arith.constant 0 : i32
    %c0_i32_3 = arith.constant 0 : i32
    return %get3A_1, %c0_i32, %c0_i32_2 : i32, i32, i32
  }
  func.func @transform_9(%arg0: i32, %arg1: memref<4x784xi32, #tpu.memory_space<smem>>) -> (i32, i32, i32) {
    %c0_i32 = arith.constant 0 : i32
    %c0_i32_0 = arith.constant 0 : i32
    %c0_i32_1 = arith.constant 0 : i32
    return %arg0, %c0_i32, %c0_i32_0 : i32, i32, i32
  }
}

module attributes {stable_mosaic.version = 14 : i64} {
  func.func @_out_body(%arg0: i32, %arg1: memref<16x224x192xf32, #tpu.memory_space<vmem>>, %arg2: memref<1x224x192xf32, #tpu.memory_space<vmem>>, %arg3: memref<1x224x192xf32, #tpu.memory_space<vmem>>, %arg4: memref<16x224x192xf32, #tpu.memory_space<vmem>>, %arg5: memref<16x192xf32, #tpu.memory_space<vmem>>, %arg6: memref<1x192xf32, #tpu.memory_space<vmem>>, %arg7: memref<192x192xf32, #tpu.memory_space<vmem>>, %arg8: memref<192x1xf32, #tpu.memory_space<vmem>>, %arg9: memref<192x16x224xf32, #tpu.memory_space<vmem>>) attributes {dimension_semantics = [#tpu.dimension_semantics<arbitrary>], iteration_bounds = array<i64: 14>, scalar_prefetch = 0 : i64, scratch_operands = 0 : i64, tpu.core_type = #tpu.core_type<tc>, window_params = [{transform_indices = @transform_0, window_bounds = array<i64: 16, 224, 192>}, {transform_indices = @transform_1, window_bounds = array<i64: 1, 224, 192>}, {transform_indices = @transform_2, window_bounds = array<i64: 1, 224, 192>}, {transform_indices = @transform_3, window_bounds = array<i64: 16, 224, 192>}, {pipeline_mode = #tpu.pipeline_mode<synchronous>, transform_indices = @transform_4, window_bounds = array<i64: 16, 192>}, {pipeline_mode = #tpu.pipeline_mode<synchronous>, transform_indices = @transform_5, window_bounds = array<i64: 1, 192>}, {pipeline_mode = #tpu.pipeline_mode<synchronous>, transform_indices = @transform_6, window_bounds = array<i64: 192, 192>}, {pipeline_mode = #tpu.pipeline_mode<synchronous>, transform_indices = @transform_7, window_bounds = array<i64: 192, 1>}, {transform_indices = @transform_8, window_bounds = array<i64: 192, 16, 224>}]} {
    %gt3A = arith.constant 0 : i32
    %gt3A_0 = arith.cmpi sgt, %arg0, %gt3A : i32
    %get3A = arith.constant 0 : index
    %get3A_1 = arith.constant 0 : index
    %get3A_2 = arith.constant 0 : index
    %get3A_3 = vector.load %arg2[%get3A, %get3A_1, %get3A_2] : memref<1x224x192xf32, #tpu.memory_space<vmem>>, vector<1x224x192xf32>
    %jit3A = arith.constant 0.000000e+00 : f32
    %broadcast_in_dim3A = vector.broadcast %jit3A : f32 to vector<1x224x192xf32>
    %select_n3A = arith.select %gt3A_0, %get3A_3, %broadcast_in_dim3A : vector<1x224x192xf32>
    %lt3A = arith.constant 13 : i32
    %lt3A_4 = arith.cmpi slt, %arg0, %lt3A : i32
    %get3A_5 = arith.constant 0 : index
    %get3A_6 = arith.constant 0 : index
    %get3A_7 = arith.constant 0 : index
    %get3A_8 = vector.load %arg3[%get3A_5, %get3A_6, %get3A_7] : memref<1x224x192xf32, #tpu.memory_space<vmem>>, vector<1x224x192xf32>
    %jit3A_9 = arith.constant 0.000000e+00 : f32
    %broadcast_in_dim3A_10 = vector.broadcast %jit3A_9 : f32 to vector<1x224x192xf32>
    %select_n3A_11 = arith.select %lt3A_4, %get3A_8, %broadcast_in_dim3A_10 : vector<1x224x192xf32>
    %get3A_12 = arith.constant 0 : index
    %get3A_13 = arith.constant 0 : index
    %get3A_14 = arith.constant 0 : index
    %get3A_15 = vector.load %arg1[%get3A_12, %get3A_13, %get3A_14] : memref<16x224x192xf32, #tpu.memory_space<vmem>>, vector<16x224x192xf32>
    %concatenate3A = tpu.concatenate %select_n3A, %get3A_15, %select_n3A_11 in 0 : vector<1x224x192xf32>, vector<16x224x192xf32>, vector<1x224x192xf32> -> vector<18x224x192xf32>
    %get3A_16 = arith.constant 0 : index
    %get3A_17 = arith.constant 0 : index
    %get3A_18 = arith.constant 0 : index
    %get3A_19 = vector.load %arg4[%get3A_16, %get3A_17, %get3A_18] : memref<16x224x192xf32, #tpu.memory_space<vmem>>, vector<16x224x192xf32>
    %get3A_20 = arith.constant 0 : index
    %get3A_21 = arith.constant 0 : index
    %get3A_22 = vector.load %arg6[%get3A_20, %get3A_21] : memref<1x192xf32, #tpu.memory_space<vmem>>, vector<1x192xf32>
    %broadcast_in_dim3A_23 = vector.shape_cast %get3A_22 : vector<1x192xf32> to vector<1x1x192xf32>
    %add3A = vector.broadcast %broadcast_in_dim3A_23 : vector<1x1x192xf32> to vector<16x224x192xf32>
    %add3A_24 = arith.addf %get3A_19, %add3A : vector<16x224x192xf32>
    %slice3A = vector.extract_strided_slice %concatenate3A {offsets = [0, 0, 0], sizes = [16, 224, 192], strides = [1, 1, 1]} : vector<18x224x192xf32> to vector<16x224x192xf32>
    %broadcast_in_dim3A_25 = arith.constant 0.000000e+00 : f32
    %broadcast_in_dim3A_26 = vector.broadcast %broadcast_in_dim3A_25 : f32 to vector<16x1x192xf32>
    %slice3A_27 = vector.extract_strided_slice %slice3A {offsets = [0, 0, 0], sizes = [16, 223, 192], strides = [1, 1, 1]} : vector<16x224x192xf32> to vector<16x223x192xf32>
    %concatenate3A_28 = tpu.concatenate %broadcast_in_dim3A_26, %slice3A_27 in 1 : vector<16x1x192xf32>, vector<16x223x192xf32> -> vector<16x224x192xf32>
    %get3A_29 = arith.constant 0 : index
    %get3A_30 = arith.constant 0 : index
    %get3A_31 = vector.load %arg5[%get3A_29, %get3A_30] : memref<16x192xf32, #tpu.memory_space<vmem>>, vector<1x192xf32>
    %get3A_32 = vector.shape_cast %get3A_31 : vector<1x192xf32> to vector<192xf32>
    %broadcast_in_dim3A_33 = vector.shape_cast %get3A_32 : vector<192xf32> to vector<1x1x192xf32>
    %mul3A = vector.broadcast %broadcast_in_dim3A_33 : vector<1x1x192xf32> to vector<16x224x192xf32>
    %mul3A_34 = arith.mulf %concatenate3A_28, %mul3A : vector<16x224x192xf32>
    %add3A_35 = arith.addf %add3A_24, %mul3A_34 : vector<16x224x192xf32>
    %get3A_36 = arith.constant 1 : index
    %get3A_37 = arith.constant 0 : index
    %get3A_38 = vector.load %arg5[%get3A_36, %get3A_37] : memref<16x192xf32, #tpu.memory_space<vmem>>, vector<1x192xf32>
    %get3A_39 = vector.shape_cast %get3A_38 : vector<1x192xf32> to vector<192xf32>
    %broadcast_in_dim3A_40 = vector.shape_cast %get3A_39 : vector<192xf32> to vector<1x1x192xf32>
    %mul3A_41 = vector.broadcast %broadcast_in_dim3A_40 : vector<1x1x192xf32> to vector<16x224x192xf32>
    %mul3A_42 = arith.mulf %slice3A, %mul3A_41 : vector<16x224x192xf32>
    %add3A_43 = arith.addf %add3A_35, %mul3A_42 : vector<16x224x192xf32>
    %slice3A_44 = vector.extract_strided_slice %slice3A {offsets = [0, 1, 0], sizes = [16, 223, 192], strides = [1, 1, 1]} : vector<16x224x192xf32> to vector<16x223x192xf32>
    %broadcast_in_dim3A_45 = arith.constant 0.000000e+00 : f32
    %broadcast_in_dim3A_46 = vector.broadcast %broadcast_in_dim3A_45 : f32 to vector<16x1x192xf32>
    %concatenate3A_47 = tpu.concatenate %slice3A_44, %broadcast_in_dim3A_46 in 1 : vector<16x223x192xf32>, vector<16x1x192xf32> -> vector<16x224x192xf32>
    %get3A_48 = arith.constant 2 : index
    %get3A_49 = arith.constant 0 : index
    %get3A_50 = vector.load %arg5[%get3A_48, %get3A_49] : memref<16x192xf32, #tpu.memory_space<vmem>>, vector<1x192xf32>
    %get3A_51 = vector.shape_cast %get3A_50 : vector<1x192xf32> to vector<192xf32>
    %broadcast_in_dim3A_52 = vector.shape_cast %get3A_51 : vector<192xf32> to vector<1x1x192xf32>
    %mul3A_53 = vector.broadcast %broadcast_in_dim3A_52 : vector<1x1x192xf32> to vector<16x224x192xf32>
    %mul3A_54 = arith.mulf %concatenate3A_47, %mul3A_53 : vector<16x224x192xf32>
    %add3A_55 = arith.addf %add3A_43, %mul3A_54 : vector<16x224x192xf32>
    %slice3A_56 = vector.extract_strided_slice %concatenate3A {offsets = [1, 0, 0], sizes = [16, 224, 192], strides = [1, 1, 1]} : vector<18x224x192xf32> to vector<16x224x192xf32>
    %broadcast_in_dim3A_57 = arith.constant 0.000000e+00 : f32
    %broadcast_in_dim3A_58 = vector.broadcast %broadcast_in_dim3A_57 : f32 to vector<16x1x192xf32>
    %slice3A_59 = vector.extract_strided_slice %slice3A_56 {offsets = [0, 0, 0], sizes = [16, 223, 192], strides = [1, 1, 1]} : vector<16x224x192xf32> to vector<16x223x192xf32>
    %concatenate3A_60 = tpu.concatenate %broadcast_in_dim3A_58, %slice3A_59 in 1 : vector<16x1x192xf32>, vector<16x223x192xf32> -> vector<16x224x192xf32>
    %get3A_61 = arith.constant 3 : index
    %get3A_62 = arith.constant 0 : index
    %get3A_63 = vector.load %arg5[%get3A_61, %get3A_62] : memref<16x192xf32, #tpu.memory_space<vmem>>, vector<1x192xf32>
    %get3A_64 = vector.shape_cast %get3A_63 : vector<1x192xf32> to vector<192xf32>
    %broadcast_in_dim3A_65 = vector.shape_cast %get3A_64 : vector<192xf32> to vector<1x1x192xf32>
    %mul3A_66 = vector.broadcast %broadcast_in_dim3A_65 : vector<1x1x192xf32> to vector<16x224x192xf32>
    %mul3A_67 = arith.mulf %concatenate3A_60, %mul3A_66 : vector<16x224x192xf32>
    %add3A_68 = arith.addf %add3A_55, %mul3A_67 : vector<16x224x192xf32>
    %get3A_69 = arith.constant 4 : index
    %get3A_70 = arith.constant 0 : index
    %get3A_71 = vector.load %arg5[%get3A_69, %get3A_70] : memref<16x192xf32, #tpu.memory_space<vmem>>, vector<1x192xf32>
    %get3A_72 = vector.shape_cast %get3A_71 : vector<1x192xf32> to vector<192xf32>
    %broadcast_in_dim3A_73 = vector.shape_cast %get3A_72 : vector<192xf32> to vector<1x1x192xf32>
    %mul3A_74 = vector.broadcast %broadcast_in_dim3A_73 : vector<1x1x192xf32> to vector<16x224x192xf32>
    %mul3A_75 = arith.mulf %slice3A_56, %mul3A_74 : vector<16x224x192xf32>
    %add3A_76 = arith.addf %add3A_68, %mul3A_75 : vector<16x224x192xf32>
    %slice3A_77 = vector.extract_strided_slice %slice3A_56 {offsets = [0, 1, 0], sizes = [16, 223, 192], strides = [1, 1, 1]} : vector<16x224x192xf32> to vector<16x223x192xf32>
    %broadcast_in_dim3A_78 = arith.constant 0.000000e+00 : f32
    %broadcast_in_dim3A_79 = vector.broadcast %broadcast_in_dim3A_78 : f32 to vector<16x1x192xf32>
    %concatenate3A_80 = tpu.concatenate %slice3A_77, %broadcast_in_dim3A_79 in 1 : vector<16x223x192xf32>, vector<16x1x192xf32> -> vector<16x224x192xf32>
    %get3A_81 = arith.constant 5 : index
    %get3A_82 = arith.constant 0 : index
    %get3A_83 = vector.load %arg5[%get3A_81, %get3A_82] : memref<16x192xf32, #tpu.memory_space<vmem>>, vector<1x192xf32>
    %get3A_84 = vector.shape_cast %get3A_83 : vector<1x192xf32> to vector<192xf32>
    %broadcast_in_dim3A_85 = vector.shape_cast %get3A_84 : vector<192xf32> to vector<1x1x192xf32>
    %mul3A_86 = vector.broadcast %broadcast_in_dim3A_85 : vector<1x1x192xf32> to vector<16x224x192xf32>
    %mul3A_87 = arith.mulf %concatenate3A_80, %mul3A_86 : vector<16x224x192xf32>
    %add3A_88 = arith.addf %add3A_76, %mul3A_87 : vector<16x224x192xf32>
    %slice3A_89 = vector.extract_strided_slice %concatenate3A {offsets = [2, 0, 0], sizes = [16, 224, 192], strides = [1, 1, 1]} : vector<18x224x192xf32> to vector<16x224x192xf32>
    %broadcast_in_dim3A_90 = arith.constant 0.000000e+00 : f32
    %broadcast_in_dim3A_91 = vector.broadcast %broadcast_in_dim3A_90 : f32 to vector<16x1x192xf32>
    %slice3A_92 = vector.extract_strided_slice %slice3A_89 {offsets = [0, 0, 0], sizes = [16, 223, 192], strides = [1, 1, 1]} : vector<16x224x192xf32> to vector<16x223x192xf32>
    %concatenate3A_93 = tpu.concatenate %broadcast_in_dim3A_91, %slice3A_92 in 1 : vector<16x1x192xf32>, vector<16x223x192xf32> -> vector<16x224x192xf32>
    %get3A_94 = arith.constant 6 : index
    %get3A_95 = arith.constant 0 : index
    %get3A_96 = vector.load %arg5[%get3A_94, %get3A_95] : memref<16x192xf32, #tpu.memory_space<vmem>>, vector<1x192xf32>
    %get3A_97 = vector.shape_cast %get3A_96 : vector<1x192xf32> to vector<192xf32>
    %broadcast_in_dim3A_98 = vector.shape_cast %get3A_97 : vector<192xf32> to vector<1x1x192xf32>
    %mul3A_99 = vector.broadcast %broadcast_in_dim3A_98 : vector<1x1x192xf32> to vector<16x224x192xf32>
    %mul3A_100 = arith.mulf %concatenate3A_93, %mul3A_99 : vector<16x224x192xf32>
    %add3A_101 = arith.addf %add3A_88, %mul3A_100 : vector<16x224x192xf32>
    %get3A_102 = arith.constant 7 : index
    %get3A_103 = arith.constant 0 : index
    %get3A_104 = vector.load %arg5[%get3A_102, %get3A_103] : memref<16x192xf32, #tpu.memory_space<vmem>>, vector<1x192xf32>
    %get3A_105 = vector.shape_cast %get3A_104 : vector<1x192xf32> to vector<192xf32>
    %broadcast_in_dim3A_106 = vector.shape_cast %get3A_105 : vector<192xf32> to vector<1x1x192xf32>
    %mul3A_107 = vector.broadcast %broadcast_in_dim3A_106 : vector<1x1x192xf32> to vector<16x224x192xf32>
    %mul3A_108 = arith.mulf %slice3A_89, %mul3A_107 : vector<16x224x192xf32>
    %add3A_109 = arith.addf %add3A_101, %mul3A_108 : vector<16x224x192xf32>
    %slice3A_110 = vector.extract_strided_slice %slice3A_89 {offsets = [0, 1, 0], sizes = [16, 223, 192], strides = [1, 1, 1]} : vector<16x224x192xf32> to vector<16x223x192xf32>
    %broadcast_in_dim3A_111 = arith.constant 0.000000e+00 : f32
    %broadcast_in_dim3A_112 = vector.broadcast %broadcast_in_dim3A_111 : f32 to vector<16x1x192xf32>
    %concatenate3A_113 = tpu.concatenate %slice3A_110, %broadcast_in_dim3A_112 in 1 : vector<16x223x192xf32>, vector<16x1x192xf32> -> vector<16x224x192xf32>
    %get3A_114 = arith.constant 8 : index
    %get3A_115 = arith.constant 0 : index
    %get3A_116 = vector.load %arg5[%get3A_114, %get3A_115] : memref<16x192xf32, #tpu.memory_space<vmem>>, vector<1x192xf32>
    %get3A_117 = vector.shape_cast %get3A_116 : vector<1x192xf32> to vector<192xf32>
    %broadcast_in_dim3A_118 = vector.shape_cast %get3A_117 : vector<192xf32> to vector<1x1x192xf32>
    %mul3A_119 = vector.broadcast %broadcast_in_dim3A_118 : vector<1x1x192xf32> to vector<16x224x192xf32>
    %mul3A_120 = arith.mulf %concatenate3A_113, %mul3A_119 : vector<16x224x192xf32>
    %add3A_121 = arith.addf %add3A_109, %mul3A_120 : vector<16x224x192xf32>
    %reshape3A = vector.shape_cast %add3A_121 : vector<16x224x192xf32> to vector<3584x192xf32>
    %get3A_122 = arith.constant 0 : index
    %get3A_123 = arith.constant 0 : index
    %get3A_124 = vector.load %arg7[%get3A_122, %get3A_123] : memref<192x192xf32, #tpu.memory_space<vmem>>, vector<192x192xf32>
    %dot_general3A = arith.constant dense<0.000000e+00> : vector<192x3584xf32>
    %dot_general3A_125 = tpu.matmul %get3A_124, %reshape3A, %dot_general3A {dimension_numbers = #tpu.dot_dimension_numbers<[1], [1], [0], [0], [0, 0, 1, 0], [], []>, transpose_lhs_hint = false} : vector<192x192xf32>, vector<3584x192xf32>, vector<192x3584xf32> -> vector<192x3584xf32>
    %reshape3A_126 = vector.shape_cast %dot_general3A_125 : vector<192x3584xf32> to vector<192x16x224xf32>
    %get3A_127 = arith.constant 0 : index
    %get3A_128 = arith.constant 0 : index
    %get3A_129 = vector.load %arg8[%get3A_127, %get3A_128] : memref<192x1xf32, #tpu.memory_space<vmem>>, vector<192x1xf32>
    %broadcast_in_dim3A_130 = vector.shape_cast %get3A_129 : vector<192x1xf32> to vector<192x1x1xf32>
    %add3A_131 = vector.broadcast %broadcast_in_dim3A_130 : vector<192x1x1xf32> to vector<192x16x224xf32>
    %add3A_132 = arith.addf %reshape3A_126, %add3A_131 : vector<192x16x224xf32>
    %swap3A = arith.constant 0 : index
    %swap3A_133 = arith.constant 0 : index
    %swap3A_134 = arith.constant 0 : index
    %swap3A_135 = vector.load %arg9[%swap3A, %swap3A_133, %swap3A_134] : memref<192x16x224xf32, #tpu.memory_space<vmem>>, vector<192x16x224xf32>
    tpu.vector_store %arg9[%swap3A, %swap3A_133, %swap3A_134], %add3A_132 {strides = array<i32>} : memref<192x16x224xf32, #tpu.memory_space<vmem>>, vector<192x16x224xf32>,
    return
  }
  func.func @transform_0(%arg0: i32) -> (i32, i32, i32) {
    %c0_i32 = arith.constant 0 : i32
    %c0_i32_0 = arith.constant 0 : i32
    %c0_i32_1 = arith.constant 0 : i32
    return %arg0, %c0_i32, %c0_i32_0 : i32, i32, i32
  }
  func.func @transform_1(%arg0: i32) -> (i32, i32, i32) {
    %mul3A = arith.constant 16 : i32
    %mul3A_0 = arith.muli %arg0, %mul3A : i32
    %sub3A = arith.constant 1 : i32
    %sub3A_1 = arith.subi %mul3A_0, %sub3A : i32
    %max3A = arith.constant 0 : i32
    %max3A_2 = arith.maxsi %sub3A_1, %max3A : i32
    %c0_i32 = arith.constant 0 : i32
    %c0_i32_3 = arith.constant 0 : i32
    %c0_i32_4 = arith.constant 0 : i32
    return %max3A_2, %c0_i32, %c0_i32_3 : i32, i32, i32
  }
  func.func @transform_2(%arg0: i32) -> (i32, i32, i32) {
    %mul3A = arith.constant 16 : i32
    %mul3A_0 = arith.muli %arg0, %mul3A : i32
    %add3A = arith.constant 16 : i32
    %add3A_1 = arith.addi %mul3A_0, %add3A : i32
    %min3A = arith.constant 223 : i32
    %min3A_2 = arith.minsi %add3A_1, %min3A : i32
    %c0_i32 = arith.constant 0 : i32
    %c0_i32_3 = arith.constant 0 : i32
    %c0_i32_4 = arith.constant 0 : i32
    return %min3A_2, %c0_i32, %c0_i32_3 : i32, i32, i32
  }
  func.func @transform_3(%arg0: i32) -> (i32, i32, i32) {
    %c0_i32 = arith.constant 0 : i32
    %c0_i32_0 = arith.constant 0 : i32
    %c0_i32_1 = arith.constant 0 : i32
    return %arg0, %c0_i32, %c0_i32_0 : i32, i32, i32
  }
  func.func @transform_4(%arg0: i32) -> (i32, i32) {
    %c0_i32 = arith.constant 0 : i32
    %c0_i32_0 = arith.constant 0 : i32
    %c0_i32_1 = arith.constant 0 : i32
    return %c0_i32, %c0_i32_0 : i32, i32
  }
  func.func @transform_5(%arg0: i32) -> (i32, i32) {
    %c0_i32 = arith.constant 0 : i32
    %c0_i32_0 = arith.constant 0 : i32
    %c0_i32_1 = arith.constant 0 : i32
    return %c0_i32, %c0_i32_0 : i32, i32
  }
  func.func @transform_6(%arg0: i32) -> (i32, i32) {
    %c0_i32 = arith.constant 0 : i32
    %c0_i32_0 = arith.constant 0 : i32
    %c0_i32_1 = arith.constant 0 : i32
    return %c0_i32, %c0_i32_0 : i32, i32
  }
  func.func @transform_7(%arg0: i32) -> (i32, i32) {
    %c0_i32 = arith.constant 0 : i32
    %c0_i32_0 = arith.constant 0 : i32
    %c0_i32_1 = arith.constant 0 : i32
    return %c0_i32, %c0_i32_0 : i32, i32
  }
  func.func @transform_8(%arg0: i32) -> (i32, i32, i32) {
    %c0_i32 = arith.constant 0 : i32
    %c0_i32_0 = arith.constant 0 : i32
    %c0_i32_1 = arith.constant 0 : i32
    return %c0_i32, %arg0, %c0_i32_0 : i32, i32, i32
  }
}

</mosaic_0001>

<sc_bundles>
// kernel: sparse-core-data-format-call.1.cloned.1.call-start
scs
called_computation.1_lowered:
.L_overlay_start_0:
0x0: {  	s2 =	sld [smem:$0x3FD9]  }
0x1: {  	s3 =	sld [smem:$0x3FFE];
	_ =	sdelay $0x1  }
0x2: {  	s1 =	srdreg.scid  }
0x3: {  	s0 =	sand.u32 $0x1, s1  }
0x4: {  	s18 =	sshll.u32 s0, $0xA;
	s2 =	sadd.s32 s3, s2  }
0x5: {  	s2 =	sadd.s32 s2, s18  }
0x6: {  	[smem:$0x3FC1] =	sst s2  }
0x7: {  	_ = 	snop  }
0x8: {  	(tm) =	ssettm $0x1  }
0x9: {  	s19 =	sld [smem:$0x3FFB];
	_ =	sdelay $0x3  }
0xa: {  	_ =	strace s19  }
0xb: {  	s2 =	sld [smem:$0x3FFC];
	_ =	sdelay $0x3  }
0xc: {  	_ =	strace s2  }
0xd: {  	s2 =	sld [smem:$0x3FFD];
	_ =	sdelay $0x3  }
0xe: {  	_ =	strace s2  }
0xf: {  	_ =	strace $0x8FFFFFFF  }
0x10: {  	s20 =	sld [smem:$0x3FDB];
	_ =	sdelay $0x1  }
0x11: {  	s21 =	simm.s32 $_scs_section_size  }
0x12: {  	s4 =	simm.s32 $_size__tile_overlayer_lowered;
	s5 =	simm.s32 $_tile_overlayer_lowered  }
0x13: {  	s6 =	simm.s32 $0x1BFF;
	s22 =	sshll.u32 s5, $0x1;
	s3 =	sadd.s32 s21, s20  }
0x14: {  	s23 =	simm.s32 $0x0;
	s4 =	sshll.u32 s4, $0x1;
	s5 =	sadd.s32 s22, s3  }
0x15: {  	[timem:s23], [sflag:s6] =	dma.local [hbm:s5], s4  }
0x16: {  	_ =	swait.ge [sflag:s6], s4  }
0x17: {  	s4 =	ssub.s32 $0x0, s4;
	[sflag:s6] =	ssyncset.done $0x0  }
0x18: {  	[sflag:s6] =	ssyncadd.s32 s4;
	_ =	sdelay $0x1  }
0x19: {  	s24 =	simm.s32 $0x1B8B  }
0x1a: {  	_ =	swait.ge [sflag:s24], $0x1  }
0x1b: {  	[sflag:s24] =	ssyncset.done $0x0  }
0x1c: {  	[sflag:s24] =	ssyncadd.s32 $0xFFFFFFFF  }
0x1d: {  	s4 =	sld [smem:$0x0]  }
0x1e: {  	s5 =	sand.u32 $0xFFFFFFFE, s1  }
0x1f: {  	p0 =	sne.s32 s1, s5  }
0x20: {  	s5 =	sshll.u32 @p0 s5, $0xE  }
0x21: {  	s5 =	sadd.s32 @p0 $0x11B8D, s5;
	s6 =	sshll.u32 @p0 s4, $0x11  }
0x22: {  	s5 =	sor.u32 @p0 s6, s5  }
0x23: {  	[sflag:s5] =	ssyncadd.remote.s32 @p0 $0x1;
	_ =	sdelay $0x1  }
0x24: {  	s5 =	simm.s32 @p0 $0x1B8D  }
0x25: {  	_ =	swait.eq @p0 [sflag:s5], $0x1  }
0x26: {  	[sflag:s5] =	ssyncadd.s32 @p0 $0xFFFFFFFF  }
0x27: {  	s6 =	sshll.u32 @!p0 s1, $0xE  }
0x28: {  	s6 =	sor.u32 @!p0 $0x4000, s6;
	s5 =	simm.s32 @!p0 $0x1B8D  }
0x29: {  	s4 =	sshll.u32 @!p0 s4, $0x11;
	s6 =	sadd.s32 @!p0 $0x11B8D, s6;
	_ =	swait.eq @!p0 [sflag:s5], $0x1  }
0x2a: {  	s4 =	sor.u32 @!p0 s4, s6;
	[sflag:s5] =	ssyncadd.s32 @!p0 $0xFFFFFFFF  }
0x2b: {  	s26 =	simm.s32 $0x1B8E;
	s25 =	sld [smem:$0x3FFE];
	[sflag:s4] =	ssyncadd.remote.s32 @!p0 $0x1  }
0x2c: {  	s27 =	simm.s32 $execute0_lowered;
	[smem:$0x3FD2] =	sst s26  }
0x2d: {  	s5 =	sshll.u32 s27, $0x1;
	_ =	strace $0x8000004C;
	[dreg:$0x1] =	wrdreg $0xFFFFFFFF  }
0x2e: {  	s28 =	simm.s32 $_size_execute0_lowered;
	s3 =	sadd.s32 s3, s5;
	[dreg:$0x0] =	wrdreg $0x0  }
0x2f: {  	s5 =	sshll.u32 s28, $0x1;
	[dreg:$0x2] =	wrdreg s3  }
0x30: {  	[dreg:$0x3] =	wrdreg s5  }
0x31: {  	[dreg:$0x4] =	wrdreg $0xC0  }
0x32: {  	_ =	task [dreg:s23], $0x5FFFF  }
0x33: {  	[dreg:$0x1] =	wrdreg $0xFFFFFFFF  }
0x34: {  	[dreg:$0x0] =	wrdreg $0x60  }
0x35: {  	[dreg:$0x2] =	wrdreg s25  }
0x36: {  	[dreg:$0x3] =	wrdreg $0xA  }
0x37: {  	_ =	task.clear_ibuf [dreg:s23], $0x4FFFF;
	_ =	strace $0x9000004C  }
0x38: {  	s29 =	simm.s32 $0xA;
	_ =	strace $0x8000004E  }
0x39: {  	_ =	swait.ge [sflag:s29], $0x1  }
0x3a: {  	[sflag:s29] =	ssyncadd.s32 $0xFFFFFFFF  }
0x3b: {  	_ =	strace $0x9000004E  }
0x3c: {  	_ =	sfence  }
0x3d: {  	s30 =	sld [smem:$0x0];
	_ =	sdelay $0x2  }
0x3e: {  	s31 =	sshll.u32 s1, $0xD;
	s1 =	sshrl.u32 s1, $0x2  }
0x3f: {  	s4 =	sand.u32 $0x4000, s31;
	s1 =	sadd.s32 s1, s30  }
0x40: {  	s0 =	sor.u32 s4, s0;
	s1 =	sshll.u32 s1, $0x11  }
0x41: {  	s0 =	sor.u32 s1, s0  }
0x42: {  	s0 =	sadd.s32 $0x8F2B, s0  }
0x43: {  	[sflag:s0] =	ssyncadd.remote.s32 $0x1  }
0x44: {  	_ =	sfence.sel $0xFFFF  }
0x45: {  	[dreg:$0x0] =	wrdreg $0xFFFFFFFF;
	(pc) =	sbr.abs _section_cstart, $3  }
0x46: {  	[dreg:$0x1] =	wrdreg $0xFFFFFFFF  }
0x47: {  	_ =	task.clear_ibuf [dreg:s23], $0x2FFFF;
	_ =	strace $0x9FFFFFFF  }
0x48: {  	(tm) =	ssettm $0x7FFFFFFF  }
0x49: {  	_ =	shalt  }
tec
execute0_lowered:
.L_overlay_start_1:
0x0: {  	(tag) =	ssettag $0x1  }
0x1: {  	s0 =	srdreg.scid  }
0x2: {  	s1 =	sshll.u32 s0, $0x4  }
0x3: {  	s0 =	stileid.u32;
	s1 =	sand.u32 $0x10, s1  }
0x4: {  	s6 =	rddreg [dreg:$0x0];
	s2 =	sor.u32 s0, s1  }
0x5: {  	s4 =	simm.s32 $0x1;
	s7 =	simm.s32 $0x2;
	s3 =	ssub.s32 $0x1C, s2  }
0x6: {  	s14 =	simm.s32 $0x0;
	s8 =	simm.s32 $0x800;
	p0 =	sgt.s32 s3, $0x0  }
0x7: {  	s9 =	simm.s32 $0xE000;
	s10 =	simm.s32 $0x0;
	s3 =	simm.s32 @!p0 $0x0  }
.Ltmp0:
0x8: {  	s15 =	simm.s32 $0x0;
	s3 =	sadd.s32 $0x1F, s3;
	(pc) =	sbr.rel .LBB1_1-.Ltmp0, $4  }
0x9: {  	s1 =	rddreg [dreg:$0x1];
	_ =	strace $0x8000004D;
	s5 =	sshrl.u32 s3, $0x5  }
0xa: {  	s11 =	simm.s32 $0x0;
	[sflag:s4] =	ssyncpa.u1 $0x0;
	s5 =	smul.u32 $0x1C, s5  }
0xb: {  	s13 =	simm.s32 $0x0;
	s12 =	smov.u32 s2;
	[sflag:s7] =	ssyncpa.u1 $0x0  }
0xc: {  	s3 =	sadd.s32 $0x499600, s6;
	s6 =	sadd.s32 $0x311600, s6;
	s7 =	sor.u32 $0x1, s5  }
.LBB1_7:
0xd: {  	s16 =	sadd.s32 $0x1, s11  }
0xe: {  	s14 =	sadd.s32 $0x20, s12;
	s18 =	smov.u32 s12;
	p1 =	sgt.s32 s16, $0x1B  }
0xf: {  	s18 =	smov.u32 @p1 s14  }
0x10: {  	s16 =	simm.s32 @p1 $0x0;
	p1 =	sgt.s32 s18, $0x1B  }
0x11: {  	s18 =	smov.u32 @p1 s2;
	p1 =	sne.s32 s13, s7  }
.Ltmp1:
0x12: {  	p0 =	slt.u32 s13, $0x2;
	(pc) =	sbr.rel @!p1 .LBB1_8-.Ltmp1, $4  }
0x13: {  	s17 =	simm.s32 @!p0 $0x2  }
0x14: {  	s15 =	smov.u32 s12;
	s10 =	sadd.s32 $0x4000, s10;
	_ =	swait.ge @!p0 [sflag:s17], $0x4000  }
0x15: {  	s14 =	smov.u32 s11;
	[sflag:s17] =	ssyncset.done @!p0 $0x0;
	s11 =	smov.u32 s16  }
0x16: {  	s13 =	sadd.s32 $0x1, s13;
	[sflag:s17] =	ssyncadd.s32 @!p0 $0xFFFFC000;
	s12 =	smov.u32 s18  }
.LBB1_1:
0x17: {  	p0 =	sge.u32 s13, s5  }
0x18: {  	s16 =	smul.u32 @!p0 $0xE000, s12  }
0x19: {  	s31 =	sadd.s32 $0xFFFFFFFF, s13;
	s17 =	sxor.u32 @!p0 $0xFFFFFFFF, s13  }
0x1a: {  	s18 =	sshll.u32 @!p0 s11, $0xB;
	s17 =	sshll.u32 @!p0 s17, $0xE;
	s16 =	sadd.s32 @!p0 s3, s16  }
0x1b: {  	s17 =	sand.u32 @!p0 $0x4000, s17;
	s16 =	sadd.s32 @!p0 s18, s16;
	s18 =	simm.s32 @!p0 $0x0  }
0x1c: {  	[tilespmem:s17], [sflag:$0x1] =	stream.linear.gather @!p0 [hbm4b:s16+s18], $0x4000, $0x38;
	[tilespmem:$0x10000] =	vst v63  }
0x1d: {  	p0 =	sge.u32 s31, s5  }
.Ltmp2:
0x1e: {  	_ = 	snop;
	(pc) =	sbr.rel @p0 .LBB1_7-.Ltmp2, $1  }
0x1f: {  	_ =	sdelay $0x3  }
0x20: {  	s17 =	sand.u32 $0x4000, s10  }
0x21: {  	_ =	swait.ge [sflag:s4], $0x4000;
	s19 =	sshll.u32 s13, $0xE;
	s16 =	sor.u32 $0x400, s17  }
0x22: {  	s18 =	sor.u32 $0x8470, s17;
	[sflag:s4] =	ssyncset.done $0x0;
	s31 =	sand.u32 $0x4000, s19  }
0x23: {  	s19 =	simm.s32 $0x0;
	[sflag:s4] =	ssyncadd.s32 $0xFFFFC000;
	s17 =	sor.u32 $0x8000, s31  }
.LBB1_3:
0x24: {  	v1 =	vmov s16;
	_ =	sdelay $0x3  }
0x25: {  	s20 =	simm.s32 $0x0  }
0x26: {  	v2 =	vld.idx.msk [tilespmem:v1+s20+$0x70 ss:$0x1], $0xffff  }
0x27: {  	v0 =	vmov s18;
	v3 =	vld.idx.msk [tilespmem:v1+s20+$0xFFFFFC00 ss:$0x1], $0xffff  }
0x28: {  	v4 =	vld.idx.msk [tilespmem:v1+s20+$0xFFFFFC10 ss:$0x1], $0xffff  }
0x29: {  	v5 =	vld.idx.msk [tilespmem:v1+s20+$0xFFFFFC20 ss:$0x1], $0xffff  }
0x2a: {  	v6 =	vld.idx.msk [tilespmem:v1+s20+$0xFFFFFC30 ss:$0x1], $0xffff  }
0x2b: {  	v7 =	vld.idx.msk [tilespmem:v1+s20+$0xFFFFFC40 ss:$0x1], $0xffff  }
0x2c: {  	v8 =	vld.idx.msk [tilespmem:v1+s20+$0xFFFFFC50 ss:$0x1], $0xffff;
	[tilespmem:v0+s20+$0x0 ss:$0x1] =	vst.idx.msk $0xffff, v2  }
0x2d: {  	v9 =	vld.idx.msk [tilespmem:v1+s20+$0xFFFFFC60 ss:$0x1], $0xffff;
	[tilespmem:v0+s20+$0xFFFFFB90 ss:$0x1] =	vst.idx.msk $0xffff, v3  }
0x2e: {  	v10 =	vld.idx.msk [tilespmem:v1+s20+$0xFFFFFC70 ss:$0x1], $0xffff;
	[tilespmem:v0+s20+$0xFFFFFBA0 ss:$0x1] =	vst.idx.msk $0xffff, v4  }
0x2f: {  	v11 =	vld.idx.msk [tilespmem:v1+s20+$0x0 ss:$0x1], $0xffff;
	[tilespmem:v0+s20+$0xFFFFFBB0 ss:$0x1] =	vst.idx.msk $0xffff, v5  }
0x30: {  	[tilespmem:v0+s20+$0xFFFFFBC0 ss:$0x1] =	vst.idx.msk $0xffff, v6;
	v2 =	vld.idx.msk [tilespmem:v1+s20+$0x10 ss:$0x1], $0xffff  }
0x31: {  	[tilespmem:v0+s20+$0xFFFFFBD0 ss:$0x1] =	vst.idx.msk $0xffff, v7;
	v3 =	vld.idx.msk [tilespmem:v1+s20+$0x20 ss:$0x1], $0xffff  }
0x32: {  	[tilespmem:v0+s20+$0xFFFFFBE0 ss:$0x1] =	vst.idx.msk $0xffff, v8;
	v4 =	vld.idx.msk [tilespmem:v1+s20+$0x30 ss:$0x1], $0xffff  }
0x33: {  	[tilespmem:v0+s20+$0xFFFFFBF0 ss:$0x1] =	vst.idx.msk $0xffff, v9;
	v5 =	vld.idx.msk [tilespmem:v1+s20+$0x40 ss:$0x1], $0xffff  }
0x34: {  	[tilespmem:v0+s20+$0xFFFFFC00 ss:$0x1] =	vst.idx.msk $0xffff, v10;
	v6 =	vld.idx.msk [tilespmem:v1+s20+$0x50 ss:$0x1], $0xffff  }
0x35: {  	s21 =	simm.s32 $0x80;
	s22 =	simm.s32 $0x400;
	[tilespmem:v0+s20+$0xFFFFFF90 ss:$0x1] =	vst.idx.msk $0xffff, v11;
	v7 =	vld.idx.msk [tilespmem:v1+s20+$0x60 ss:$0x1], $0xffff  }
.LBB1_4:
0x36: {  	p0 =	sne.s32 s22, $0xE00;
	v8 =	vld.idx.msk [tilespmem:v1+s21+$0x70 ss:$0x1], $0xffff;
	[tilespmem:v0+s20+$0xFFFFFFA0 ss:$0x1] =	vst.idx.msk $0xffff, v2  }
0x37: {  	v2 =	vld.idx.msk [tilespmem:v1+s21+$0xFFFFFC00 ss:$0x1], $0xffff;
	[tilespmem:v0+s20+$0xFFFFFFB0 ss:$0x1] =	vst.idx.msk $0xffff, v3  }
0x38: {  	v3 =	vld.idx.msk [tilespmem:v1+s21+$0xFFFFFC10 ss:$0x1], $0xffff;
	[tilespmem:v0+s20+$0xFFFFFFC0 ss:$0x1] =	vst.idx.msk $0xffff, v4  }
0x39: {  	v4 =	vld.idx.msk [tilespmem:v1+s21+$0xFFFFFC20 ss:$0x1], $0xffff;
	[tilespmem:v0+s20+$0xFFFFFFD0 ss:$0x1] =	vst.idx.msk $0xffff, v5  }
0x3a: {  	v5 =	vld.idx.msk [tilespmem:v1+s21+$0xFFFFFC30 ss:$0x1], $0xffff;
	[tilespmem:v0+s20+$0xFFFFFFE0 ss:$0x1] =	vst.idx.msk $0xffff, v6  }
0x3b: {  	v6 =	vld.idx.msk [tilespmem:v1+s21+$0xFFFFFC40 ss:$0x1], $0xffff;
	[tilespmem:v0+s20+$0xFFFFFFF0 ss:$0x1] =	vst.idx.msk $0xffff, v7;
	s20 =	smov.u32 s21  }
0x3c: {  	v7 =	vld.idx.msk [tilespmem:v1+s20+$0xFFFFFC50 ss:$0x1], $0xffff;
	[tilespmem:v0+s20+$0x0 ss:$0x1] =	vst.idx.msk $0xffff, v8  }
0x3d: {  	[tilespmem:v0+s20+$0xFFFFFB90 ss:$0x1] =	vst.idx.msk $0xffff, v2;
	v8 =	vld.idx.msk [tilespmem:v1+s20+$0xFFFFFC60 ss:$0x1], $0xffff  }
0x3e: {  	[tilespmem:v0+s20+$0xFFFFFBA0 ss:$0x1] =	vst.idx.msk $0xffff, v3;
	v9 =	vld.idx.msk [tilespmem:v1+s20+$0xFFFFFC70 ss:$0x1], $0xffff  }
0x3f: {  	[tilespmem:v0+s20+$0xFFFFFBB0 ss:$0x1] =	vst.idx.msk $0xffff, v4;
	v10 =	vld.idx.msk [tilespmem:v1+s20+$0x0 ss:$0x1], $0xffff  }
0x40: {  	[tilespmem:v0+s20+$0xFFFFFBC0 ss:$0x1] =	vst.idx.msk $0xffff, v5;
	v2 =	vld.idx.msk [tilespmem:v1+s20+$0x10 ss:$0x1], $0xffff  }
.Ltmp3:
0x41: {  	[tilespmem:v0+s20+$0xFFFFFBD0 ss:$0x1] =	vst.idx.msk $0xffff, v6;
	v3 =	vld.idx.msk [tilespmem:v1+s20+$0x20 ss:$0x1], $0xffff;
	(pc) =	sbr.rel @p0 .LBB1_4-.Ltmp3, $4  }
0x42: {  	[tilespmem:v0+s20+$0xFFFFFBE0 ss:$0x1] =	vst.idx.msk $0xffff, v7;
	v4 =	vld.idx.msk [tilespmem:v1+s20+$0x30 ss:$0x1], $0xffff  }
0x43: {  	[tilespmem:v0+s20+$0xFFFFFBF0 ss:$0x1] =	vst.idx.msk $0xffff, v8;
	v5 =	vld.idx.msk [tilespmem:v1+s20+$0x40 ss:$0x1], $0xffff  }
0x44: {  	[tilespmem:v0+s20+$0xFFFFFC00 ss:$0x1] =	vst.idx.msk $0xffff, v9;
	v6 =	vld.idx.msk [tilespmem:v1+s20+$0x50 ss:$0x1], $0xffff  }
0x45: {  	s21 =	sshra.s32 s22, $0x2;
	s22 =	sadd.s32 $0x200, s22;
	[tilespmem:v0+s20+$0xFFFFFF90 ss:$0x1] =	vst.idx.msk $0xffff, v10;
	v7 =	vld.idx.msk [tilespmem:v1+s20+$0x60 ss:$0x1], $0xffff  }
0x46: {  	_ =	sdelay $0x3  }
0x47: {  	[tilespmem:v0+s20+$0xFFFFFFA0 ss:$0x1] =	vst.idx.msk $0xffff, v2  }
0x48: {  	v48 =	vld.idx.msk [tilespmem:v1+s21+$0x70 ss:$0x1], $0xffff;
	[tilespmem:v0+s20+$0xFFFFFFB0 ss:$0x1] =	vst.idx.msk $0xffff, v3  }
0x49: {  	v49 =	vld.idx.msk [tilespmem:v1+s21+$0xFFFFFC00 ss:$0x1], $0xffff;
	[tilespmem:v0+s20+$0xFFFFFFC0 ss:$0x1] =	vst.idx.msk $0xffff, v4  }
0x4a: {  	v50 =	vld.idx.msk [tilespmem:v1+s21+$0xFFFFFC10 ss:$0x1], $0xffff;
	[tilespmem:v0+s20+$0xFFFFFFD0 ss:$0x1] =	vst.idx.msk $0xffff, v5  }
0x4b: {  	v51 =	vld.idx.msk [tilespmem:v1+s21+$0xFFFFFC20 ss:$0x1], $0xffff;
	[tilespmem:v0+s20+$0xFFFFFFE0 ss:$0x1] =	vst.idx.msk $0xffff, v6  }
0x4c: {  	v52 =	vld.idx.msk [tilespmem:v1+s21+$0xFFFFFC30 ss:$0x1], $0xffff;
	[tilespmem:v0+s20+$0xFFFFFFF0 ss:$0x1] =	vst.idx.msk $0xffff, v7  }
0x4d: {  	v53 =	vld.idx.msk [tilespmem:v1+s21+$0xFFFFFC40 ss:$0x1], $0xffff;
	[tilespmem:v0+s21+$0x0 ss:$0x1] =	vst.idx.msk $0xffff, v48  }
0x4e: {  	v54 =	vld.idx.msk [tilespmem:v1+s21+$0xFFFFFC50 ss:$0x1], $0xffff;
	[tilespmem:v0+s21+$0xFFFFFB90 ss:$0x1] =	vst.idx.msk $0xffff, v49  }
0x4f: {  	v55 =	vld.idx.msk [tilespmem:v1+s21+$0xFFFFFC60 ss:$0x1], $0xffff;
	[tilespmem:v0+s21+$0xFFFFFBA0 ss:$0x1] =	vst.idx.msk $0xffff, v50  }
0x50: {  	v56 =	vld.idx.msk [tilespmem:v1+s21+$0xFFFFFC70 ss:$0x1], $0xffff;
	[tilespmem:v0+s21+$0xFFFFFBB0 ss:$0x1] =	vst.idx.msk $0xffff, v51  }
0x51: {  	v57 =	vld.idx.msk [tilespmem:v1+s21+$0x0 ss:$0x1], $0xffff;
	[tilespmem:v0+s21+$0xFFFFFBC0 ss:$0x1] =	vst.idx.msk $0xffff, v52  }
0x52: {  	v58 =	vld.idx.msk [tilespmem:v1+s21+$0x10 ss:$0x1], $0xffff;
	[tilespmem:v0+s21+$0xFFFFFBD0 ss:$0x1] =	vst.idx.msk $0xffff, v53  }
0x53: {  	v59 =	vld.idx.msk [tilespmem:v1+s21+$0x20 ss:$0x1], $0xffff;
	[tilespmem:v0+s21+$0xFFFFFBE0 ss:$0x1] =	vst.idx.msk $0xffff, v54  }
0x54: {  	v60 =	vld.idx.msk [tilespmem:v1+s21+$0x30 ss:$0x1], $0xffff;
	[tilespmem:v0+s21+$0xFFFFFBF0 ss:$0x1] =	vst.idx.msk $0xffff, v55  }
0x55: {  	v61 =	vld.idx.msk [tilespmem:v1+s21+$0x40 ss:$0x1], $0xffff;
	[tilespmem:v0+s21+$0xFFFFFC00 ss:$0x1] =	vst.idx.msk $0xffff, v56  }
0x56: {  	v62 =	vld.idx.msk [tilespmem:v1+s21+$0x50 ss:$0x1], $0xffff;
	s19 =	sadd.s32 $0x1, s19;
	[tilespmem:v0+s21+$0xFFFFFF90 ss:$0x1] =	vst.idx.msk $0xffff, v57  }
0x57: {  	v63 =	vld.idx.msk [tilespmem:v1+s21+$0x60 ss:$0x1], $0xffff;
	p0 =	sne.s32 s19, $0x8;
	[tilespmem:v0+s21+$0xFFFFFFA0 ss:$0x1] =	vst.idx.msk $0xffff, v58  }
.Ltmp4:
0x58: {  	[tilespmem:v0+s21+$0xFFFFFFB0 ss:$0x1] =	vst.idx.msk $0xffff, v59;
	(pc) =	sbr.rel @p0 .LBB1_3-.Ltmp4, $4  }
0x59: {  	[tilespmem:v0+s21+$0xFFFFFFC0 ss:$0x1] =	vst.idx.msk $0xffff, v60  }
0x5a: {  	[tilespmem:v0+s21+$0xFFFFFFD0 ss:$0x1] =	vst.idx.msk $0xffff, v61  }
0x5b: {  	[tilespmem:v0+s21+$0xFFFFFFE0 ss:$0x1] =	vst.idx.msk $0xffff, v62  }
0x5c: {  	s16 =	sadd.s32 $0x800, s16;
	s18 =	sadd.s32 $0x800, s18;
	[tilespmem:v0+s21+$0xFFFFFFF0 ss:$0x1] =	vst.idx.msk $0xffff, v63  }
0x5d: {  	s15 =	smul.u32 $0xE000, s15  }
.Ltmp5:
0x5e: {  	_ = 	snop;
	(pc) =	sbr.rel .LBB1_7-.Ltmp5, $4  }
0x5f: {  	_ = 	snop  }
0x60: {  	s14 =	sshll.u32 s14, $0x8;
	s15 =	sadd.s32 s6, s15  }
0x61: {  	s14 =	sadd.s32 s14, s15  }
0x62: {  	[hbm4b:s14+s8] =	stream.strided.scatter [tilespmem:s17], [sflag:$0x2], $0x4000, s9, s8, $0x38;
	[tilespmem:$0x10000] =	vst v63  }
.LBB1_8:
0x63: {  	_ =	sfence.sel $0x180000  }
0x64: {  	s2 =	simm.s32 $0x1;
	[bflag:$0x0] =	sbarrier.arrive $0xFFFF  }
0x65: {  	s31 =	simm.s32 $0x2;
	[sflag:s2] =	ssyncpa.u1 $0x1  }
0x66: {  	[sflag:s31] =	ssyncpa.u1 $0x1  }
0x67: {  	p0 =	sne.s32 s0, $0x0;
	_ =	strace $0x9000004D  }
0x68: {  	s0 =	sadd.s32 @!p0 $0x100000, s1;
	[bflag:$0x2] =	sbarrier.arrive $0xFFFF  }
0x69: {  	[sflag:s0] =	ssyncadd.tile.s32 @!p0 $0x1;
	_ =	shalt  }
.Lfunc_end1:
_tile_overlayer_lowered:
.L_overlay_start_2:
0x6a: {  	(tag) =	ssettag $0x2  }
0x6b: {  	s0 =	rddreg [dreg:$0x0];
	s2 =	stileid.u32  }
0x6c: {  	s1 =	rddreg [dreg:$0x1];
	p0 =	sne.s32 s2, $0x0  }
0x6d: {  	s3 =	rddreg [dreg:$0x2];
	[bflag:$0x3] =	sbarrier.arrive $0xFFFF;
	s2 =	simm.s32 @!p0 $0x1C01  }
0x6e: {  	[timem:s3], [sflag:s2] =	dma.local @!p0 [hbm:s0], s1  }
0x6f: {  	s0 =	simm.s32 @!p0 $0x1  }
0x70: {  	_ =	swait.ge @!p0 [sflag:s0], s1  }
0x71: {  	s1 =	ssub.s32 @!p0 $0x0, s1;
	[sflag:s0] =	ssyncset.done @!p0 $0x0  }
0x72: {  	[sflag:s0] =	ssyncadd.s32 @!p0 s1  }
0x73: {  	[bflag:$0x3] =	sbarrier.arrive $0xFFFF  }
0x74: {  	_ =	shalt  }

// kernel: sparse-core-data-format-call.2.cloned.1.call-start
scs
called_computation.2_lowered:
.L_overlay_start_0:
0x0: {  	s1 =	sld [smem:$0x3FD9]  }
0x1: {  	s2 =	sld [smem:$0x3FFE];
	_ =	sdelay $0x1  }
0x2: {  	s3 =	srdreg.scid  }
0x3: {  	s0 =	sand.u32 $0x1, s3  }
0x4: {  	s17 =	sshll.u32 s0, $0xA;
	s1 =	sadd.s32 s2, s1  }
0x5: {  	s1 =	sadd.s32 s1, s17  }
0x6: {  	[smem:$0x3FC1] =	sst s1  }
0x7: {  	_ = 	snop  }
0x8: {  	(tm) =	ssettm $0x1  }
0x9: {  	s18 =	sld [smem:$0x3FFB];
	_ =	sdelay $0x3  }
0xa: {  	_ =	strace s18  }
0xb: {  	s1 =	sld [smem:$0x3FFC];
	_ =	sdelay $0x3  }
0xc: {  	_ =	strace s1  }
0xd: {  	s1 =	sld [smem:$0x3FFD];
	_ =	sdelay $0x3  }
0xe: {  	_ =	strace s1  }
0xf: {  	_ =	strace $0x8FFFFFFF  }
0x10: {  	s19 =	sld [smem:$0x3FDB];
	_ =	sdelay $0x1  }
0x11: {  	s20 =	simm.s32 $_scs_section_size  }
0x12: {  	s4 =	simm.s32 $_size__tile_overlayer_lowered;
	s5 =	simm.s32 $_tile_overlayer_lowered  }
0x13: {  	s23 =	simm.s32 $0x1BFF;
	s22 =	sshll.u32 s5, $0x1;
	s1 =	sadd.s32 s20, s19  }
0x14: {  	s6 =	simm.s32 $0x0;
	s21 =	sshll.u32 s4, $0x1;
	s4 =	sadd.s32 s22, s1  }
0x15: {  	[timem:s6], [sflag:s23] =	dma.local [hbm:s4], s21  }
0x16: {  	_ =	swait.ge [sflag:s23], s21  }
0x17: {  	s2 =	ssub.s32 $0x0, s21;
	[sflag:s23] =	ssyncset.done $0x0  }
0x18: {  	[sflag:s23] =	ssyncadd.s32 s2;
	_ =	sdelay $0x1  }
0x19: {  	s24 =	simm.s32 $0x1B8B  }
0x1a: {  	_ =	swait.ge [sflag:s24], $0x1  }
0x1b: {  	[sflag:s24] =	ssyncset.done $0x0  }
0x1c: {  	s26 =	simm.s32 $0x1B8E;
	s25 =	sld [smem:$0x3FFE];
	[sflag:s24] =	ssyncadd.s32 $0xFFFFFFFF  }
0x1d: {  	s27 =	simm.s32 $execute0_lowered;
	[smem:$0x3FD2] =	sst s26  }
0x1e: {  	s4 =	sshll.u32 s27, $0x1;
	_ =	strace $0x80000046;
	[dreg:$0x1] =	wrdreg $0xFFFFFFFF  }
0x1f: {  	s28 =	simm.s32 $_size_execute0_lowered;
	s1 =	sadd.s32 s1, s4;
	[dreg:$0x0] =	wrdreg $0x0  }
0x20: {  	s4 =	sshll.u32 s28, $0x1;
	[dreg:$0x2] =	wrdreg s1  }
0x21: {  	[dreg:$0x3] =	wrdreg s4  }
0x22: {  	[dreg:$0x4] =	wrdreg $0xC0  }
0x23: {  	_ =	task [dreg:s6], $0x5FFFF  }
0x24: {  	[dreg:$0x1] =	wrdreg $0xFFFFFFFF  }
0x25: {  	[dreg:$0x0] =	wrdreg $0x60  }
0x26: {  	[dreg:$0x2] =	wrdreg s25  }
0x27: {  	[dreg:$0x3] =	wrdreg $0x9  }
0x28: {  	_ =	task.clear_ibuf [dreg:s6], $0x4FFFF;
	_ =	strace $0x90000046  }
0x29: {  	s29 =	simm.s32 $0x9;
	_ =	strace $0x80000048  }
0x2a: {  	_ =	swait.ge [sflag:s29], $0x1  }
0x2b: {  	[sflag:s29] =	ssyncadd.s32 $0xFFFFFFFF  }
0x2c: {  	_ =	strace $0x90000048  }
0x2d: {  	_ =	sfence  }
0x2e: {  	s30 =	sld [smem:$0x0];
	_ =	sdelay $0x2  }
0x2f: {  	s31 =	sshll.u32 s3, $0xD;
	s3 =	sshrl.u32 s3, $0x2  }
0x30: {  	s2 =	sand.u32 $0x4000, s31;
	s1 =	sadd.s32 s3, s30  }
0x31: {  	s0 =	sor.u32 s2, s0;
	s1 =	sshll.u32 s1, $0x11  }
0x32: {  	s0 =	sor.u32 s1, s0  }
0x33: {  	s0 =	sadd.s32 $0x8F2B, s0  }
0x34: {  	[sflag:s0] =	ssyncadd.remote.s32 $0x1  }
0x35: {  	_ =	sfence.sel $0xFFFF  }
0x36: {  	[dreg:$0x0] =	wrdreg $0xFFFFFFFF;
	(pc) =	sbr.abs _section_cstart, $3  }
0x37: {  	[dreg:$0x1] =	wrdreg $0xFFFFFFFF  }
0x38: {  	_ =	task.clear_ibuf [dreg:s6], $0x2FFFF;
	_ =	strace $0x9FFFFFFF  }
0x39: {  	(tm) =	ssettm $0x7FFFFFFF  }
tec
execute0_lowered:
.L_overlay_start_1:
0x0: {  	(tag) =	ssettag $0x1  }
0x1: {  	s0 =	srdreg.scid  }
0x2: {  	s1 =	stileid.u32;
	s0 =	sshll.u32 s0, $0x4  }
0x3: {  	s0 =	sor.u32 s1, s0  }
0x4: {  	s0 =	sshrl.u32 s0, $0x2  }
0x5: {  	s5 =	rddreg [dreg:$0x0];
	_ =	strace $0x80000047;
	s6 =	sand.u32 $0x6, s0  }
0x6: {  	s29 =	simm.s32 $0x1;
	s31 =	simm.s32 $0x2;
	s0 =	ssub.s32 $0x8, s6  }
0x7: {  	s15 =	simm.s32 $0x0;
	s16 =	simm.s32 $0x0;
	s2 =	sand.u32 $0x6, s0  }
0x8: {  	s7 =	sand.u32 $0x7, s1;
	p0 =	sne.s32 s2, $0x0;
	s2 =	simm.s32 $0x1  }
0x9: {  	s4 =	ssub.s32 $0x23, s7;
	s0 =	sshrl.u32 s0, $0x3;
	s2 =	simm.s32 @!p0 $0x0  }
0xa: {  	s30 =	sadd.s32 $0x189600, s5;
	s4 =	sshrl.u32 s4, $0x3;
	s0 =	sadd.s32 s2, s0  }
0xb: {  	s17 =	simm.s32 $0x0;
	[dreg:$0x6] =	wrdreg s30;
	s0 =	smul.u32 s0, s4  }
.Ltmp0:
0xc: {  	s8 =	sadd.s32 $0x1600, s5;
	[dreg:$0x3] =	wrdreg s7;
	(pc) =	sbr.rel .LBB1_1-.Ltmp0, $4  }
0xd: {  	s11 =	simm.s32 $0x0;
	[dreg:$0x4] =	wrdreg s8;
	s9 =	smul.u32 $0x7, s0  }
0xe: {  	s14 =	simm.s32 $0x0;
	[sflag:s29] =	ssyncpa.u1 $0x0;
	[dreg:$0x2] =	wrdreg s6  }
0xf: {  	[sflag:s31] =	ssyncpa.u1 $0x0;
	s10 =	sadd.s32 $0x1, s9;
	[dreg:$0x5] =	wrdreg s9  }
0x10: {  	s13 =	smov.u32 s7;
	s12 =	smov.u32 s6;
	[dreg:$0x7] =	wrdreg s10  }
.LBB1_9:
0x11: {  	s0 =	sadd.s32 $0x4, s11  }
0x12: {  	s1 =	sadd.s32 $0x8, s12;
	s2 =	smov.u32 s12;
	p1 =	sgt.s32 s0, $0x1B  }
0x13: {  	s2 =	smov.u32 @p1 s1  }
0x14: {  	s3 =	sadd.s32 $0x8, s13;
	s4 =	smov.u32 s13;
	p2 =	sgt.s32 s2, $0x7  }
0x15: {  	s4 =	smov.u32 @p2 s3  }
0x16: {  	s0 =	simm.s32 @p1 $0x0;
	p1 =	sgt.s32 s4, $0x1B  }
0x17: {  	p0 =	slt.u32 s14, $0x2;
	s4 =	smov.u32 @p1 s7;
	p1 =	sne.s32 s14, s10  }
.Ltmp1:
0x18: {  	s1 =	simm.s32 @!p0 $0x2;
	(pc) =	sbr.rel @!p1 .LBB1_10-.Ltmp1, $4  }
0x19: {  	s15 =	smov.u32 s11;
	_ =	swait.ge @!p0 [sflag:s1], $0x4000  }
0x1a: {  	s16 =	smov.u32 s12;
	s17 =	smov.u32 s13;
	[sflag:s1] =	ssyncset.done @!p0 $0x0  }
0x1b: {  	s11 =	smov.u32 s0;
	s2 =	smov.u32 @p2 s6;
	[sflag:s1] =	ssyncadd.s32 @!p0 $0xFFFFC000  }
0x1c: {  	s12 =	smov.u32 s2;
	s14 =	sadd.s32 $0x1, s14;
	s13 =	smov.u32 s4  }
.LBB1_1:
0x1d: {  	p0 =	sge.u32 s14, s9  }
0x1e: {  	s0 =	smul.u32 @!p0 $0xE000, s13  }
0x1f: {  	s2 =	sxor.u32 @!p0 $0xFFFFFFFF, s14;
	s4 =	smul.u32 @!p0 $0x1C00, s12  }
0x20: {  	s31 =	sadd.s32 $0xFFFFFFFF, s14;
	s2 =	sshll.u32 @!p0 s2, $0xE;
	s0 =	sadd.s32 @!p0 s8, s0  }
0x21: {  	s5 =	sshll.u32 @!p0 s11, $0x8;
	s2 =	sand.u32 @!p0 $0x4000, s2;
	s0 =	sadd.s32 @!p0 s4, s0  }
0x22: {  	s4 =	simm.s32 @!p0 $0x2000;
	s0 =	sadd.s32 @!p0 s5, s0;
	s5 =	simm.s32 @!p0 $0xE000  }
0x23: {  	[tilespmem:s2], [sflag:$0x1] =	stream.strided.gather @!p0 [hbm4b:s0+s4], $0x4000, s5, s4, $0x38;
	[tilespmem:$0x10000] =	vst v63  }
0x24: {  	p0 =	sge.u32 s31, s9  }
.Ltmp2:
0x25: {  	_ = 	snop;
	(pc) =	sbr.rel @p0 .LBB1_9-.Ltmp2, $1  }
0x26: {  	_ =	sdelay $0x3  }
0x27: {  	s1 =	simm.s32 $0x1  }
0x28: {  	s0 =	sshll.u32 s14, $0xE;
	_ =	swait.ge [sflag:s1], $0x4000  }
0x29: {  	p1 =	por $0x1, $0x1;
	s19 =	sand.u32 $0x4000, s0;
	[sflag:s1] =	ssyncset.done $0x0  }
0x2a: {  	s0 =	simm.s32 $0x0;
	s18 =	sor.u32 $0x8000, s19;
	[sflag:s1] =	ssyncadd.s32 $0xFFFFC000  }
.LBB1_3:
0x2b: {  	s2 =	sshll.u32 s0, $0xD;
	s31 =	sshll.u32 s0, $0xB  }
0x2c: {  	p0 =	por p1, p1;
	s2 =	sand.u32 $0x3FFFE000, s2;
	s0 =	sand.u32 $0x3FFFF800, s31  }
0x2d: {  	s22 =	simm.s32 $0x0;
	s20 =	sadd.s32 s2, s19;
	s21 =	sadd.s32 s0, s18  }
.LBB1_4:
0x2e: {  	s0 =	sshll.u32 s22, $0xC  }
0x2f: {  	s2 =	sshll.u32 s22, $0xB;
	s4 =	simm.s32 $0x410;
	s1 =	simm.s32 $0x470  }
0x30: {  	s6 =	simm.s32 $0x460;
	s8 =	simm.s32 $0x450;
	s0 =	sand.u32 $0x3FFFF000, s0  }
0x31: {  	s2 =	sand.u32 $0x3FFFF800, s2;
	s10 =	sand.u32 $0x700, s4;
	s25 =	sand.u32 $0x90, s4  }
0x32: {  	s3 =	sand.u32 $0xF0, s1;
	s4 =	sand.u32 $0x700, s1;
	s23 =	sadd.s32 s0, s21  }
0x33: {  	s9 =	sand.u32 $0x700, s6;
	s24 =	sadd.s32 s2, s20;
	s26 =	sadd.s32 s10, s23  }
0x34: {  	s0 =	sadd.s32 s10, s24;
	s7 =	sadd.s32 s4, s24;
	s2 =	sadd.s32 s4, s23  }
0x35: {  	s10 =	sand.u32 $0xE0, s6;
	s1 =	sadd.s32 s9, s23;
	s9 =	sadd.s32 s9, s24  }
0x36: {  	s26 =	sadd.s32 s25, s26;
	s5 =	sadd.s32 s25, s0;
	s25 =	sadd.s32 s3, s7  }
0x37: {  	s27 =	sadd.s32 s3, s2;
	s3 =	sand.u32 $0x700, s8;
	s28 =	sadd.s32 s10, s1  }
0x38: {  	s0 =	sand.u32 $0xD0, s8;
	s8 =	sadd.s32 s10, s9;
	s10 =	simm.s32 $0x440  }
0x39: {  	s6 =	sadd.s32 s3, s23;
	s7 =	sadd.s32 s3, s24;
	s4 =	sand.u32 $0xC0, s10  }
0x3a: {  	s1 =	sand.u32 $0x700, s10;
	s3 =	simm.s32 $0x430;
	v2 =	vld [tilespmem:s25+$0x0];
	s25 =	simm.s32 $0x490  }
0x3b: {  	s29 =	sadd.s32 s0, s6;
	s2 =	sadd.s32 s0, s7;
	s6 =	sadd.s32 s1, s24  }
0x3c: {  	s9 =	sadd.s32 s1, s23;
	s10 =	sand.u32 $0x700, s3;
	s1 =	sand.u32 $0xB0, s3  }
0x3d: {  	s0 =	sadd.s32 s4, s6;
	s30 =	sadd.s32 s4, s9;
	s9 =	simm.s32 $0x420  }
0x3e: {  	v1 =	vld [tilespmem:s5+$0x0];
	s3 =	sadd.s32 s10, s23;
	s10 =	sadd.s32 s10, s24;
	s4 =	simm.s32 $0x0  }
0x3f: {  	s6 =	sand.u32 $0x700, s9;
	s31 =	sadd.s32 s1, s3;
	s9 =	sand.u32 $0xA0, s9  }
0x40: {  	v0 =	vld [tilespmem:s8+$0x0];
	s10 =	sadd.s32 s1, s10;
	s7 =	sadd.s32 s6, s23;
	s5 =	sadd.s32 s6, s24  }
.LBB1_5:
0x41: {  	p1 =	sne.s32 s25, $0x790;
	s1 =	sand.u32 $0x300, s4;
	s7 =	sadd.s32 s9, s7;
	v3 =	vld [tilespmem:s2+$0x0]  }
0x42: {  	s2 =	sadd.s32 s1, s24;
	s8 =	sadd.s32 s1, s23;
	s1 =	sor.u32 $0x400, s1;
	v4 =	vld [tilespmem:s0+$0x0]  }
0x43: {  	s5 =	sadd.s32 s9, s5;
	s0 =	sand.u32 $0x80, s4;
	s4 =	sadd.s32 s1, s24;
	[tilespmem:s26+$0x0] =	vst v1;
	v1 =	vld [tilespmem:s10+$0x0]  }
0x44: {  	s9 =	sor.u32 $0x10, s0;
	s10 =	sor.u32 $0x20, s0;
	s4 =	sadd.s32 s0, s4;
	v5 =	vld [tilespmem:s5+$0x0];
	[tilespmem:s27+$0x0] =	vst v2  }
0x45: {  	s26 =	sor.u32 $0x40, s0;
	s5 =	sor.u32 $0x30, s0;
	s27 =	sor.u32 $0x50, s0;
	v2 =	vld [tilespmem:s4+$0x0];
	[tilespmem:s28+$0x0] =	vst v0  }
0x46: {  	s3 =	sor.u32 $0x70, s0;
	s4 =	sadd.s32 s0, s2;
	s28 =	sor.u32 $0x60, s0;
	[tilespmem:s29+$0x0] =	vst v3  }
0x47: {  	s6 =	sadd.s32 s5, s2;
	s29 =	sadd.s32 s10, s2;
	v0 =	vld [tilespmem:s4+$0x0];
	s4 =	sadd.s32 s9, s2;
	[tilespmem:s30+$0x0] =	vst v4  }
0x48: {  	s1 =	sadd.s32 s1, s23;
	s30 =	sadd.s32 s27, s2;
	v3 =	vld [tilespmem:s4+$0x0];
	s4 =	sadd.s32 s26, s2;
	[tilespmem:s31+$0x0] =	vst v1  }
0x49: {  	s1 =	sadd.s32 s0, s1;
	v1 =	vld [tilespmem:s29+$0x0];
	s29 =	sadd.s32 s28, s2;
	s2 =	sadd.s32 s3, s2;
	[tilespmem:s7+$0x0] =	vst v5  }
0x4a: {  	s0 =	sadd.s32 s0, s8;
	s7 =	sadd.s32 s9, s8;
	s9 =	sadd.s32 s10, s8;
	v4 =	vld [tilespmem:s6+$0x0];
	[tilespmem:s1+$0x0] =	vst v2  }
0x4b: {  	s1 =	sadd.s32 s5, s8;
	s5 =	sadd.s32 s27, s8;
	v2 =	vld [tilespmem:s4+$0x0];
	s4 =	sadd.s32 s26, s8  }
0x4c: {  	s3 =	sadd.s32 s3, s8;
	s6 =	sand.u32 $0x700, s25;
	[tilespmem:s0+$0x0] =	vst v0;
	v0 =	vld [tilespmem:s30+$0x0];
	s0 =	sadd.s32 s28, s8  }
0x4d: {  	s10 =	sadd.s32 s6, s23;
	s6 =	sadd.s32 s6, s24;
	s8 =	sand.u32 $0x90, s25;
	[tilespmem:s7+$0x0] =	vst v3;
	v3 =	vld [tilespmem:s29+$0x0]  }
0x4e: {  	s26 =	sadd.s32 s8, s10;
	s7 =	sadd.s32 $0x60, s25;
	s6 =	sadd.s32 s8, s6;
	[tilespmem:s9+$0x0] =	vst v1;
	v1 =	vld [tilespmem:s2+$0x0]  }
0x4f: {  	s2 =	sand.u32 $0xF0, s7;
	s7 =	sand.u32 $0x700, s7;
	[tilespmem:s1+$0x0] =	vst v4;
	s1 =	sadd.s32 $0x50, s25  }
0x50: {  	s8 =	sadd.s32 s7, s24;
	s7 =	sadd.s32 s7, s23;
	[tilespmem:s4+$0x0] =	vst v2;
	s4 =	sand.u32 $0x700, s1  }
0x51: {  	s8 =	sadd.s32 s2, s8;
	s27 =	sadd.s32 s2, s7;
	s2 =	sadd.s32 $0x40, s25;
	[tilespmem:s5+$0x0] =	vst v0  }
0x52: {  	s1 =	sand.u32 $0xE0, s1;
	s5 =	sadd.s32 s4, s23;
	s4 =	sadd.s32 s4, s24;
	[tilespmem:s0+$0x0] =	vst v3  }
0x53: {  	s0 =	sand.u32 $0x700, s2;
	s28 =	sadd.s32 s1, s5;
	s2 =	sand.u32 $0xD0, s2;
	[tilespmem:s3+$0x0] =	vst v1  }
0x54: {  	s1 =	sadd.s32 s1, s4;
	s4 =	sadd.s32 $0x30, s25;
	s3 =	sadd.s32 s0, s23  }
0x55: {  	s5 =	sadd.s32 $0x20, s25;
	s0 =	sadd.s32 s0, s24;
	s29 =	sadd.s32 s2, s3  }
0x56: {  	s3 =	sand.u32 $0xC0, s4;
	s4 =	sand.u32 $0x700, s4;
	s2 =	sadd.s32 s2, s0  }
0x57: {  	s7 =	sand.u32 $0x700, s5;
	s0 =	sadd.s32 s4, s24;
	s4 =	sadd.s32 s4, s23  }
.Ltmp3:
0x58: {  	s0 =	sadd.s32 s3, s0;
	s30 =	sadd.s32 s3, s4;
	(pc) =	sbr.rel @p1 .LBB1_5-.Ltmp3, $4  }
0x59: {  	s3 =	sadd.s32 $0x10, s25;
	s4 =	sand.u32 $0xB0, s5;
	s5 =	sadd.s32 s7, s23  }
0x5a: {  	s10 =	sadd.s32 s7, s24;
	s31 =	sadd.s32 s4, s5;
	v1 =	vld [tilespmem:s6+$0x0];
	s6 =	sand.u32 $0x700, s3  }
0x5b: {  	s9 =	sand.u32 $0xA0, s3;
	s10 =	sadd.s32 s4, s10;
	s7 =	sadd.s32 s6, s23;
	v2 =	vld [tilespmem:s8+$0x0]  }
0x5c: {  	s4 =	sadd.s32 $0xFFFFFBF0, s25;
	s25 =	sadd.s32 $0x80, s25;
	s5 =	sadd.s32 s6, s24;
	v0 =	vld [tilespmem:s1+$0x0]  }
0x5d: {  	s1 =	sand.u32 $0x300, s4;
	v3 =	vld [tilespmem:s2+$0x0]  }
0x5e: {  	v4 =	vld [tilespmem:s0+$0x0];
	s25 =	sor.u32 $0x400, s1  }
0x5f: {  	s0 =	sand.u32 $0x80, s4;
	v54 =	vld [tilespmem:s10+$0x0];
	s3 =	sadd.s32 s25, s24;
	[tilespmem:s26+$0x0] =	vst v1;
	s26 =	sadd.s32 s9, s5  }
0x60: {  	s5 =	sadd.s32 s1, s24;
	s3 =	sadd.s32 s0, s3;
	v5 =	vld [tilespmem:s26+$0x0];
	[tilespmem:s27+$0x0] =	vst v2  }
0x61: {  	s4 =	sor.u32 $0x10, s0;
	s27 =	sadd.s32 s0, s5;
	v55 =	vld [tilespmem:s3+$0x0];
	[tilespmem:s28+$0x0] =	vst v0  }
0x62: {  	s6 =	sadd.s32 s9, s7;
	s7 =	sor.u32 $0x20, s0;
	v56 =	vld [tilespmem:s27+$0x0];
	s28 =	sadd.s32 s4, s5;
	[tilespmem:s29+$0x0] =	vst v3  }
0x63: {  	s8 =	sor.u32 $0x30, s0;
	s1 =	sadd.s32 s1, s23;
	s29 =	sadd.s32 s7, s5;
	[tilespmem:s30+$0x0] =	vst v4;
	v57 =	vld [tilespmem:s28+$0x0]  }
0x64: {  	s2 =	sadd.s32 s25, s23;
	s3 =	sor.u32 $0x40, s0;
	s30 =	sadd.s32 s8, s5;
	[tilespmem:s31+$0x0] =	vst v54;
	v58 =	vld [tilespmem:s29+$0x0]  }
0x65: {  	s25 =	sor.u32 $0x60, s0;
	s2 =	sadd.s32 s0, s2;
	s24 =	sadd.s32 s3, s5;
	v59 =	vld [tilespmem:s30+$0x0];
	[tilespmem:s6+$0x0] =	vst v5  }
0x66: {  	s27 =	sadd.s32 s0, s1;
	s31 =	sor.u32 $0x50, s0;
	s28 =	sadd.s32 s25, s5;
	v60 =	vld [tilespmem:s24+$0x0];
	[tilespmem:s2+$0x0] =	vst v55  }
0x67: {  	s4 =	sadd.s32 s4, s1;
	s0 =	sor.u32 $0x70, s0;
	s26 =	sadd.s32 s31, s5;
	v62 =	vld [tilespmem:s28+$0x0];
	[tilespmem:s27+$0x0] =	vst v56  }
0x68: {  	s22 =	sadd.s32 $0x1, s22;
	s7 =	sadd.s32 s7, s1;
	s5 =	sadd.s32 s0, s5;
	v61 =	vld [tilespmem:s26+$0x0];
	[tilespmem:s4+$0x0] =	vst v57  }
0x69: {  	p1 =	sne.s32 s22, $0x4;
	s29 =	sadd.s32 s8, s1;
	v63 =	vld [tilespmem:s5+$0x0];
	[tilespmem:s7+$0x0] =	vst v58  }
.Ltmp4:
0x6a: {  	s3 =	sadd.s32 s3, s1;
	[tilespmem:s29+$0x0] =	vst v59;
	(pc) =	sbr.rel @p1 .LBB1_4-.Ltmp4, $4  }
0x6b: {  	s30 =	sadd.s32 s31, s1;
	s31 =	sadd.s32 s25, s1;
	[tilespmem:s3+$0x0] =	vst v60  }
0x6c: {  	[tilespmem:s31+$0x0] =	vst v62  }
0x6d: {  	s0 =	sadd.s32 s0, s1;
	[tilespmem:s30+$0x0] =	vst v61  }
0x6e: {  	[tilespmem:s0+$0x0] =	vst v63  }
.Ltmp5:
0x6f: {  	(pc) =	sbr.rel @p0 .LBB1_3-.Ltmp5, $2  }
0x70: {  	_ =	sdelay $0x2  }
0x71: {  	s0 =	simm.s32 $0x1;
	p1 =	por $0x0, $0x0  }
0x72: {  	s2 =	rddreg [dreg:$0x6]  }
0x73: {  	s0 =	smul.u32 $0xE000, s17;
	s6 =	rddreg [dreg:$0x2]  }
.Ltmp6:
0x74: {  	s1 =	sshll.u32 s16, $0x8;
	s7 =	rddreg [dreg:$0x3];
	(pc) =	sbr.rel .LBB1_9-.Ltmp6, $4  }
0x75: {  	s29 =	sshll.u32 s15, $0xB;
	s8 =	rddreg [dreg:$0x4];
	s0 =	sadd.s32 s2, s0  }
0x76: {  	s30 =	simm.s32 $0x1000;
	s9 =	rddreg [dreg:$0x5];
	s0 =	sadd.s32 s1, s0  }
0x77: {  	s31 =	simm.s32 $0x4000;
	s10 =	rddreg [dreg:$0x7];
	s0 =	sadd.s32 s29, s0  }
0x78: {  	[hbm4b:s0+s30] =	stream.strided.scatter [tilespmem:s18], [sflag:$0x2], $0x4000, s31, s30, $0x38;
	[tilespmem:$0x10000] =	vst v63  }
.LBB1_10:
0x79: {  	_ =	sfence.sel $0x180000  }
0x7a: {  	s0 =	simm.s32 $0x1;
	[bflag:$0x0] =	sbarrier.arrive $0xFFFF  }
0x7b: {  	s30 =	simm.s32 $0x2;
	[sflag:s0] =	ssyncpa.u1 $0x1  }
0x7c: {  	[sflag:s30] =	ssyncpa.u1 $0x1  }
0x7d: {  	_ =	strace $0x90000047  }
0x7e: {  	s31 =	stileid.u32;
	[bflag:$0x2] =	sbarrier.arrive $0xFFFF  }
0x7f: {  	p0 =	sne.s32 s31, $0x0;
	s0 =	rddreg [dreg:$0x1]  }
0x80: {  	s0 =	sadd.s32 @!p0 $0x100000, s0  }
0x81: {  	[sflag:s0] =	ssyncadd.tile.s32 @!p0 $0x1;
	_ =	shalt  }
.Lfunc_end1:
_tile_overlayer_lowered:
.L_overlay_start_2:
0x82: {  	(tag) =	ssettag $0x2  }
0x83: {  	s0 =	rddreg [dreg:$0x0];
	s2 =	stileid.u32  }
0x84: {  	s1 =	rddreg [dreg:$0x1];
	p0 =	sne.s32 s2, $0x0  }
0x85: {  	s3 =	rddreg [dreg:$0x2];
	[bflag:$0x3] =	sbarrier.arrive $0xFFFF;
	s2 =	simm.s32 @!p0 $0x1C01  }
0x86: {  	[timem:s3], [sflag:s2] =	dma.local @!p0 [hbm:s0], s1  }
0x87: {  	s0 =	simm.s32 @!p0 $0x1  }
0x88: {  	_ =	swait.ge @!p0 [sflag:s0], s1  }
0x89: {  	s1 =	ssub.s32 @!p0 $0x0, s1;
	[sflag:s0] =	ssyncset.done @!p0 $0x0  }
0x8a: {  	[sflag:s0] =	ssyncadd.s32 @!p0 s1  }
0x8b: {  	[bflag:$0x3] =	sbarrier.arrive $0xFFFF  }
0x8c: {  	_ =	shalt  }

// kernel: sparse-core-data-format-call.cloned.1.call-start
scs
called_computation_lowered:
.L_overlay_start_0:
0x0: {  	s1 =	sld [smem:$0x3FD9]  }
0x1: {  	s2 =	sld [smem:$0x3FFE];
	_ =	sdelay $0x1  }
0x2: {  	s3 =	srdreg.scid  }
0x3: {  	s0 =	sand.u32 $0x1, s3  }
0x4: {  	s17 =	sshll.u32 s0, $0xA;
	s1 =	sadd.s32 s2, s1  }
0x5: {  	s1 =	sadd.s32 s1, s17  }
0x6: {  	[smem:$0x3FC1] =	sst s1  }
0x7: {  	_ = 	snop  }
0x8: {  	(tm) =	ssettm $0x1  }
0x9: {  	s18 =	sld [smem:$0x3FFB];
	_ =	sdelay $0x3  }
0xa: {  	_ =	strace s18  }
0xb: {  	s1 =	sld [smem:$0x3FFC];
	_ =	sdelay $0x3  }
0xc: {  	_ =	strace s1  }
0xd: {  	s1 =	sld [smem:$0x3FFD];
	_ =	sdelay $0x3  }
0xe: {  	_ =	strace s1  }
0xf: {  	_ =	strace $0x8FFFFFFF  }
0x10: {  	s19 =	sld [smem:$0x3FDB];
	_ =	sdelay $0x1  }
0x11: {  	s20 =	simm.s32 $_scs_section_size  }
0x12: {  	s4 =	simm.s32 $_size__tile_overlayer_lowered;
	s5 =	simm.s32 $_tile_overlayer_lowered  }
0x13: {  	s23 =	simm.s32 $0x1BFF;
	s22 =	sshll.u32 s5, $0x1;
	s1 =	sadd.s32 s20, s19  }
0x14: {  	s6 =	simm.s32 $0x0;
	s21 =	sshll.u32 s4, $0x1;
	s4 =	sadd.s32 s22, s1  }
0x15: {  	[timem:s6], [sflag:s23] =	dma.local [hbm:s4], s21  }
0x16: {  	_ =	swait.ge [sflag:s23], s21  }
0x17: {  	s2 =	ssub.s32 $0x0, s21;
	[sflag:s23] =	ssyncset.done $0x0  }
0x18: {  	[sflag:s23] =	ssyncadd.s32 s2;
	_ =	sdelay $0x1  }
0x19: {  	s24 =	simm.s32 $0x1B8B  }
0x1a: {  	_ =	swait.ge [sflag:s24], $0x1  }
0x1b: {  	[sflag:s24] =	ssyncset.done $0x0  }
0x1c: {  	s26 =	simm.s32 $0x1B8E;
	s25 =	sld [smem:$0x3FFE];
	[sflag:s24] =	ssyncadd.s32 $0xFFFFFFFF  }
0x1d: {  	s27 =	simm.s32 $execute0_lowered;
	[smem:$0x3FD2] =	sst s26  }
0x1e: {  	s4 =	sshll.u32 s27, $0x1;
	_ =	strace $0x80000049;
	[dreg:$0x1] =	wrdreg $0xFFFFFFFF  }
0x1f: {  	s28 =	simm.s32 $_size_execute0_lowered;
	s1 =	sadd.s32 s1, s4;
	[dreg:$0x0] =	wrdreg $0x0  }
0x20: {  	s4 =	sshll.u32 s28, $0x1;
	[dreg:$0x2] =	wrdreg s1  }
0x21: {  	[dreg:$0x3] =	wrdreg s4  }
0x22: {  	[dreg:$0x4] =	wrdreg $0xC0  }
0x23: {  	_ =	task [dreg:s6], $0x5FFFF  }
0x24: {  	[dreg:$0x1] =	wrdreg $0xFFFFFFFF  }
0x25: {  	[dreg:$0x0] =	wrdreg $0x60  }
0x26: {  	[dreg:$0x2] =	wrdreg s25  }
0x27: {  	[dreg:$0x3] =	wrdreg $0x9  }
0x28: {  	_ =	task.clear_ibuf [dreg:s6], $0x4FFFF;
	_ =	strace $0x90000049  }
0x29: {  	s29 =	simm.s32 $0x9;
	_ =	strace $0x8000004B  }
0x2a: {  	_ =	swait.ge [sflag:s29], $0x1  }
0x2b: {  	[sflag:s29] =	ssyncadd.s32 $0xFFFFFFFF  }
0x2c: {  	_ =	strace $0x9000004B  }
0x2d: {  	_ =	sfence  }
0x2e: {  	s30 =	sld [smem:$0x0];
	_ =	sdelay $0x2  }
0x2f: {  	s31 =	sshll.u32 s3, $0xD;
	s3 =	sshrl.u32 s3, $0x2  }
0x30: {  	s2 =	sand.u32 $0x4000, s31;
	s1 =	sadd.s32 s3, s30  }
0x31: {  	s0 =	sor.u32 s2, s0;
	s1 =	sshll.u32 s1, $0x11  }
0x32: {  	s0 =	sor.u32 s1, s0  }
0x33: {  	s0 =	sadd.s32 $0x8F2B, s0  }
0x34: {  	[sflag:s0] =	ssyncadd.remote.s32 $0x1  }
0x35: {  	_ =	sfence.sel $0xFFFF  }
0x36: {  	[dreg:$0x0] =	wrdreg $0xFFFFFFFF;
	(pc) =	sbr.abs _section_cstart, $3  }
0x37: {  	[dreg:$0x1] =	wrdreg $0xFFFFFFFF  }
0x38: {  	_ =	task.clear_ibuf [dreg:s6], $0x2FFFF;
	_ =	strace $0x9FFFFFFF  }
0x39: {  	(tm) =	ssettm $0x7FFFFFFF  }
tec
execute0_lowered:
.L_overlay_start_1:
0x0: {  	(tag) =	ssettag $0x1  }
0x1: {  	s0 =	srdreg.scid  }
0x2: {  	s1 =	sshll.u32 s0, $0x4  }
0x3: {  	s0 =	stileid.u32;
	s1 =	sand.u32 $0x10, s1  }
0x4: {  	s6 =	rddreg [dreg:$0x0];
	s2 =	sor.u32 s0, s1  }
0x5: {  	s4 =	simm.s32 $0x1;
	s7 =	simm.s32 $0x2;
	s3 =	ssub.s32 $0x1C, s2  }
0x6: {  	s14 =	simm.s32 $0x0;
	s8 =	simm.s32 $0x800;
	p0 =	sgt.s32 s3, $0x0  }
0x7: {  	s9 =	simm.s32 $0xE000;
	s10 =	simm.s32 $0x0;
	s3 =	simm.s32 @!p0 $0x0  }
.Ltmp0:
0x8: {  	s15 =	simm.s32 $0x0;
	s3 =	sadd.s32 $0x1F, s3;
	(pc) =	sbr.rel .LBB1_1-.Ltmp0, $4  }
0x9: {  	s1 =	rddreg [dreg:$0x1];
	_ =	strace $0x8000004A;
	s5 =	sshrl.u32 s3, $0x5  }
0xa: {  	s11 =	simm.s32 $0x0;
	[sflag:s4] =	ssyncpa.u1 $0x0;
	s5 =	smul.u32 $0x1C, s5  }
0xb: {  	s13 =	simm.s32 $0x0;
	s12 =	smov.u32 s2;
	[sflag:s7] =	ssyncpa.u1 $0x0  }
0xc: {  	s3 =	sadd.s32 $0x189600, s6;
	s6 =	sadd.s32 $0x1600, s6;
	s7 =	sor.u32 $0x1, s5  }
.LBB1_7:
0xd: {  	s16 =	sadd.s32 $0x1, s11  }
0xe: {  	s14 =	sadd.s32 $0x20, s12;
	s18 =	smov.u32 s12;
	p1 =	sgt.s32 s16, $0x1B  }
0xf: {  	s18 =	smov.u32 @p1 s14  }
0x10: {  	s16 =	simm.s32 @p1 $0x0;
	p1 =	sgt.s32 s18, $0x1B  }
0x11: {  	s18 =	smov.u32 @p1 s2;
	p1 =	sne.s32 s13, s7  }
.Ltmp1:
0x12: {  	p0 =	slt.u32 s13, $0x2;
	(pc) =	sbr.rel @!p1 .LBB1_8-.Ltmp1, $4  }
0x13: {  	s17 =	simm.s32 @!p0 $0x2  }
0x14: {  	s15 =	smov.u32 s12;
	s10 =	sadd.s32 $0x4000, s10;
	_ =	swait.ge @!p0 [sflag:s17], $0x4000  }
0x15: {  	s14 =	smov.u32 s11;
	[sflag:s17] =	ssyncset.done @!p0 $0x0;
	s11 =	smov.u32 s16  }
0x16: {  	s13 =	sadd.s32 $0x1, s13;
	[sflag:s17] =	ssyncadd.s32 @!p0 $0xFFFFC000;
	s12 =	smov.u32 s18  }
.LBB1_1:
0x17: {  	p0 =	sge.u32 s13, s5  }
0x18: {  	s16 =	smul.u32 @!p0 $0xE000, s12  }
0x19: {  	s31 =	sadd.s32 $0xFFFFFFFF, s13;
	s17 =	sxor.u32 @!p0 $0xFFFFFFFF, s13  }
0x1a: {  	s18 =	sshll.u32 @!p0 s11, $0xB;
	s17 =	sshll.u32 @!p0 s17, $0xE;
	s16 =	sadd.s32 @!p0 s3, s16  }
0x1b: {  	s17 =	sand.u32 @!p0 $0x4000, s17;
	s16 =	sadd.s32 @!p0 s18, s16;
	s18 =	simm.s32 @!p0 $0x0  }
0x1c: {  	[tilespmem:s17], [sflag:$0x1] =	stream.linear.gather @!p0 [hbm4b:s16+s18], $0x4000, $0x38;
	[tilespmem:$0x10000] =	vst v63  }
0x1d: {  	p0 =	sge.u32 s31, s5  }
.Ltmp2:
0x1e: {  	_ = 	snop;
	(pc) =	sbr.rel @p0 .LBB1_7-.Ltmp2, $1  }
0x1f: {  	_ =	sdelay $0x3  }
0x20: {  	s17 =	sand.u32 $0x4000, s10  }
0x21: {  	_ =	swait.ge [sflag:s4], $0x4000;
	s19 =	sshll.u32 s13, $0xE;
	s16 =	sor.u32 $0x400, s17  }
0x22: {  	s18 =	sor.u32 $0x8470, s17;
	[sflag:s4] =	ssyncset.done $0x0;
	s31 =	sand.u32 $0x4000, s19  }
0x23: {  	s19 =	simm.s32 $0x0;
	[sflag:s4] =	ssyncadd.s32 $0xFFFFC000;
	s17 =	sor.u32 $0x8000, s31  }
.LBB1_3:
0x24: {  	v1 =	vmov s16;
	_ =	sdelay $0x3  }
0x25: {  	s20 =	simm.s32 $0x0  }
0x26: {  	v2 =	vld.idx.msk [tilespmem:v1+s20+$0x70 ss:$0x1], $0xffff  }
0x27: {  	v0 =	vmov s18;
	v3 =	vld.idx.msk [tilespmem:v1+s20+$0xFFFFFC00 ss:$0x1], $0xffff  }
0x28: {  	v4 =	vld.idx.msk [tilespmem:v1+s20+$0xFFFFFC10 ss:$0x1], $0xffff  }
0x29: {  	v5 =	vld.idx.msk [tilespmem:v1+s20+$0xFFFFFC20 ss:$0x1], $0xffff  }
0x2a: {  	v6 =	vld.idx.msk [tilespmem:v1+s20+$0xFFFFFC30 ss:$0x1], $0xffff  }
0x2b: {  	v7 =	vld.idx.msk [tilespmem:v1+s20+$0xFFFFFC40 ss:$0x1], $0xffff  }
0x2c: {  	v8 =	vld.idx.msk [tilespmem:v1+s20+$0xFFFFFC50 ss:$0x1], $0xffff;
	[tilespmem:v0+s20+$0x0 ss:$0x1] =	vst.idx.msk $0xffff, v2  }
0x2d: {  	v9 =	vld.idx.msk [tilespmem:v1+s20+$0xFFFFFC60 ss:$0x1], $0xffff;
	[tilespmem:v0+s20+$0xFFFFFB90 ss:$0x1] =	vst.idx.msk $0xffff, v3  }
0x2e: {  	v10 =	vld.idx.msk [tilespmem:v1+s20+$0xFFFFFC70 ss:$0x1], $0xffff;
	[tilespmem:v0+s20+$0xFFFFFBA0 ss:$0x1] =	vst.idx.msk $0xffff, v4  }
0x2f: {  	v11 =	vld.idx.msk [tilespmem:v1+s20+$0x0 ss:$0x1], $0xffff;
	[tilespmem:v0+s20+$0xFFFFFBB0 ss:$0x1] =	vst.idx.msk $0xffff, v5  }
0x30: {  	[tilespmem:v0+s20+$0xFFFFFBC0 ss:$0x1] =	vst.idx.msk $0xffff, v6;
	v2 =	vld.idx.msk [tilespmem:v1+s20+$0x10 ss:$0x1], $0xffff  }
0x31: {  	[tilespmem:v0+s20+$0xFFFFFBD0 ss:$0x1] =	vst.idx.msk $0xffff, v7;
	v3 =	vld.idx.msk [tilespmem:v1+s20+$0x20 ss:$0x1], $0xffff  }
0x32: {  	[tilespmem:v0+s20+$0xFFFFFBE0 ss:$0x1] =	vst.idx.msk $0xffff, v8;
	v4 =	vld.idx.msk [tilespmem:v1+s20+$0x30 ss:$0x1], $0xffff  }
0x33: {  	[tilespmem:v0+s20+$0xFFFFFBF0 ss:$0x1] =	vst.idx.msk $0xffff, v9;
	v5 =	vld.idx.msk [tilespmem:v1+s20+$0x40 ss:$0x1], $0xffff  }
0x34: {  	[tilespmem:v0+s20+$0xFFFFFC00 ss:$0x1] =	vst.idx.msk $0xffff, v10;
	v6 =	vld.idx.msk [tilespmem:v1+s20+$0x50 ss:$0x1], $0xffff  }
0x35: {  	s21 =	simm.s32 $0x80;
	s22 =	simm.s32 $0x400;
	[tilespmem:v0+s20+$0xFFFFFF90 ss:$0x1] =	vst.idx.msk $0xffff, v11;
	v7 =	vld.idx.msk [tilespmem:v1+s20+$0x60 ss:$0x1], $0xffff  }
.LBB1_4:
0x36: {  	p0 =	sne.s32 s22, $0xE00;
	v8 =	vld.idx.msk [tilespmem:v1+s21+$0x70 ss:$0x1], $0xffff;
	[tilespmem:v0+s20+$0xFFFFFFA0 ss:$0x1] =	vst.idx.msk $0xffff, v2  }
0x37: {  	v2 =	vld.idx.msk [tilespmem:v1+s21+$0xFFFFFC00 ss:$0x1], $0xffff;
	[tilespmem:v0+s20+$0xFFFFFFB0 ss:$0x1] =	vst.idx.msk $0xffff, v3  }
0x38: {  	v3 =	vld.idx.msk [tilespmem:v1+s21+$0xFFFFFC10 ss:$0x1], $0xffff;
	[tilespmem:v0+s20+$0xFFFFFFC0 ss:$0x1] =	vst.idx.msk $0xffff, v4  }
0x39: {  	v4 =	vld.idx.msk [tilespmem:v1+s21+$0xFFFFFC20 ss:$0x1], $0xffff;
	[tilespmem:v0+s20+$0xFFFFFFD0 ss:$0x1] =	vst.idx.msk $0xffff, v5  }
0x3a: {  	v5 =	vld.idx.msk [tilespmem:v1+s21+$0xFFFFFC30 ss:$0x1], $0xffff;
	[tilespmem:v0+s20+$0xFFFFFFE0 ss:$0x1] =	vst.idx.msk $0xffff, v6  }
0x3b: {  	v6 =	vld.idx.msk [tilespmem:v1+s21+$0xFFFFFC40 ss:$0x1], $0xffff;
	[tilespmem:v0+s20+$0xFFFFFFF0 ss:$0x1] =	vst.idx.msk $0xffff, v7;
	s20 =	smov.u32 s21  }
0x3c: {  	v7 =	vld.idx.msk [tilespmem:v1+s20+$0xFFFFFC50 ss:$0x1], $0xffff;
	[tilespmem:v0+s20+$0x0 ss:$0x1] =	vst.idx.msk $0xffff, v8  }
0x3d: {  	[tilespmem:v0+s20+$0xFFFFFB90 ss:$0x1] =	vst.idx.msk $0xffff, v2;
	v8 =	vld.idx.msk [tilespmem:v1+s20+$0xFFFFFC60 ss:$0x1], $0xffff  }
0x3e: {  	[tilespmem:v0+s20+$0xFFFFFBA0 ss:$0x1] =	vst.idx.msk $0xffff, v3;
	v9 =	vld.idx.msk [tilespmem:v1+s20+$0xFFFFFC70 ss:$0x1], $0xffff  }
0x3f: {  	[tilespmem:v0+s20+$0xFFFFFBB0 ss:$0x1] =	vst.idx.msk $0xffff, v4;
	v10 =	vld.idx.msk [tilespmem:v1+s20+$0x0 ss:$0x1], $0xffff  }
0x40: {  	[tilespmem:v0+s20+$0xFFFFFBC0 ss:$0x1] =	vst.idx.msk $0xffff, v5;
	v2 =	vld.idx.msk [tilespmem:v1+s20+$0x10 ss:$0x1], $0xffff  }
.Ltmp3:
0x41: {  	[tilespmem:v0+s20+$0xFFFFFBD0 ss:$0x1] =	vst.idx.msk $0xffff, v6;
	v3 =	vld.idx.msk [tilespmem:v1+s20+$0x20 ss:$0x1], $0xffff;
	(pc) =	sbr.rel @p0 .LBB1_4-.Ltmp3, $4  }
0x42: {  	[tilespmem:v0+s20+$0xFFFFFBE0 ss:$0x1] =	vst.idx.msk $0xffff, v7;
	v4 =	vld.idx.msk [tilespmem:v1+s20+$0x30 ss:$0x1], $0xffff  }
0x43: {  	[tilespmem:v0+s20+$0xFFFFFBF0 ss:$0x1] =	vst.idx.msk $0xffff, v8;
	v5 =	vld.idx.msk [tilespmem:v1+s20+$0x40 ss:$0x1], $0xffff  }
0x44: {  	[tilespmem:v0+s20+$0xFFFFFC00 ss:$0x1] =	vst.idx.msk $0xffff, v9;
	v6 =	vld.idx.msk [tilespmem:v1+s20+$0x50 ss:$0x1], $0xffff  }
0x45: {  	s21 =	sshra.s32 s22, $0x2;
	s22 =	sadd.s32 $0x200, s22;
	[tilespmem:v0+s20+$0xFFFFFF90 ss:$0x1] =	vst.idx.msk $0xffff, v10;
	v7 =	vld.idx.msk [tilespmem:v1+s20+$0x60 ss:$0x1], $0xffff  }
0x46: {  	_ =	sdelay $0x3  }
0x47: {  	[tilespmem:v0+s20+$0xFFFFFFA0 ss:$0x1] =	vst.idx.msk $0xffff, v2  }
0x48: {  	v48 =	vld.idx.msk [tilespmem:v1+s21+$0x70 ss:$0x1], $0xffff;
	[tilespmem:v0+s20+$0xFFFFFFB0 ss:$0x1] =	vst.idx.msk $0xffff, v3  }
0x49: {  	v49 =	vld.idx.msk [tilespmem:v1+s21+$0xFFFFFC00 ss:$0x1], $0xffff;
	[tilespmem:v0+s20+$0xFFFFFFC0 ss:$0x1] =	vst.idx.msk $0xffff, v4  }
0x4a: {  	v50 =	vld.idx.msk [tilespmem:v1+s21+$0xFFFFFC10 ss:$0x1], $0xffff;
	[tilespmem:v0+s20+$0xFFFFFFD0 ss:$0x1] =	vst.idx.msk $0xffff, v5  }
0x4b: {  	v51 =	vld.idx.msk [tilespmem:v1+s21+$0xFFFFFC20 ss:$0x1], $0xffff;
	[tilespmem:v0+s20+$0xFFFFFFE0 ss:$0x1] =	vst.idx.msk $0xffff, v6  }
0x4c: {  	v52 =	vld.idx.msk [tilespmem:v1+s21+$0xFFFFFC30 ss:$0x1], $0xffff;
	[tilespmem:v0+s20+$0xFFFFFFF0 ss:$0x1] =	vst.idx.msk $0xffff, v7  }
0x4d: {  	v53 =	vld.idx.msk [tilespmem:v1+s21+$0xFFFFFC40 ss:$0x1], $0xffff;
	[tilespmem:v0+s21+$0x0 ss:$0x1] =	vst.idx.msk $0xffff, v48  }
0x4e: {  	v54 =	vld.idx.msk [tilespmem:v1+s21+$0xFFFFFC50 ss:$0x1], $0xffff;
	[tilespmem:v0+s21+$0xFFFFFB90 ss:$0x1] =	vst.idx.msk $0xffff, v49  }
0x4f: {  	v55 =	vld.idx.msk [tilespmem:v1+s21+$0xFFFFFC60 ss:$0x1], $0xffff;
	[tilespmem:v0+s21+$0xFFFFFBA0 ss:$0x1] =	vst.idx.msk $0xffff, v50  }
0x50: {  	v56 =	vld.idx.msk [tilespmem:v1+s21+$0xFFFFFC70 ss:$0x1], $0xffff;
	[tilespmem:v0+s21+$0xFFFFFBB0 ss:$0x1] =	vst.idx.msk $0xffff, v51  }
0x51: {  	v57 =	vld.idx.msk [tilespmem:v1+s21+$0x0 ss:$0x1], $0xffff;
	[tilespmem:v0+s21+$0xFFFFFBC0 ss:$0x1] =	vst.idx.msk $0xffff, v52  }
0x52: {  	v58 =	vld.idx.msk [tilespmem:v1+s21+$0x10 ss:$0x1], $0xffff;
	[tilespmem:v0+s21+$0xFFFFFBD0 ss:$0x1] =	vst.idx.msk $0xffff, v53  }
0x53: {  	v59 =	vld.idx.msk [tilespmem:v1+s21+$0x20 ss:$0x1], $0xffff;
	[tilespmem:v0+s21+$0xFFFFFBE0 ss:$0x1] =	vst.idx.msk $0xffff, v54  }
0x54: {  	v60 =	vld.idx.msk [tilespmem:v1+s21+$0x30 ss:$0x1], $0xffff;
	[tilespmem:v0+s21+$0xFFFFFBF0 ss:$0x1] =	vst.idx.msk $0xffff, v55  }
0x55: {  	v61 =	vld.idx.msk [tilespmem:v1+s21+$0x40 ss:$0x1], $0xffff;
	[tilespmem:v0+s21+$0xFFFFFC00 ss:$0x1] =	vst.idx.msk $0xffff, v56  }
0x56: {  	v62 =	vld.idx.msk [tilespmem:v1+s21+$0x50 ss:$0x1], $0xffff;
	s19 =	sadd.s32 $0x1, s19;
	[tilespmem:v0+s21+$0xFFFFFF90 ss:$0x1] =	vst.idx.msk $0xffff, v57  }
0x57: {  	v63 =	vld.idx.msk [tilespmem:v1+s21+$0x60 ss:$0x1], $0xffff;
	p0 =	sne.s32 s19, $0x8;
	[tilespmem:v0+s21+$0xFFFFFFA0 ss:$0x1] =	vst.idx.msk $0xffff, v58  }
.Ltmp4:
0x58: {  	[tilespmem:v0+s21+$0xFFFFFFB0 ss:$0x1] =	vst.idx.msk $0xffff, v59;
	(pc) =	sbr.rel @p0 .LBB1_3-.Ltmp4, $4  }
0x59: {  	[tilespmem:v0+s21+$0xFFFFFFC0 ss:$0x1] =	vst.idx.msk $0xffff, v60  }
0x5a: {  	[tilespmem:v0+s21+$0xFFFFFFD0 ss:$0x1] =	vst.idx.msk $0xffff, v61  }
0x5b: {  	[tilespmem:v0+s21+$0xFFFFFFE0 ss:$0x1] =	vst.idx.msk $0xffff, v62  }
0x5c: {  	s16 =	sadd.s32 $0x800, s16;
	s18 =	sadd.s32 $0x800, s18;
	[tilespmem:v0+s21+$0xFFFFFFF0 ss:$0x1] =	vst.idx.msk $0xffff, v63  }
0x5d: {  	s15 =	smul.u32 $0xE000, s15  }
.Ltmp5:
0x5e: {  	_ = 	snop;
	(pc) =	sbr.rel .LBB1_7-.Ltmp5, $4  }
0x5f: {  	_ = 	snop  }
0x60: {  	s14 =	sshll.u32 s14, $0x8;
	s15 =	sadd.s32 s6, s15  }
0x61: {  	s14 =	sadd.s32 s14, s15  }
0x62: {  	[hbm4b:s14+s8] =	stream.strided.scatter [tilespmem:s17], [sflag:$0x2], $0x4000, s9, s8, $0x38;
	[tilespmem:$0x10000] =	vst v63  }
.LBB1_8:
0x63: {  	_ =	sfence.sel $0x180000  }
0x64: {  	s2 =	simm.s32 $0x1;
	[bflag:$0x0] =	sbarrier.arrive $0xFFFF  }
0x65: {  	s31 =	simm.s32 $0x2;
	[sflag:s2] =	ssyncpa.u1 $0x1  }
0x66: {  	[sflag:s31] =	ssyncpa.u1 $0x1  }
0x67: {  	p0 =	sne.s32 s0, $0x0;
	_ =	strace $0x9000004A  }
0x68: {  	s0 =	sadd.s32 @!p0 $0x100000, s1;
	[bflag:$0x2] =	sbarrier.arrive $0xFFFF  }
0x69: {  	[sflag:s0] =	ssyncadd.tile.s32 @!p0 $0x1;
	_ =	shalt  }
.Lfunc_end1:
_tile_overlayer_lowered:
.L_overlay_start_2:
0x6a: {  	(tag) =	ssettag $0x2  }
0x6b: {  	s0 =	rddreg [dreg:$0x0];
	s2 =	stileid.u32  }
0x6c: {  	s1 =	rddreg [dreg:$0x1];
	p0 =	sne.s32 s2, $0x0  }
0x6d: {  	s3 =	rddreg [dreg:$0x2];
	[bflag:$0x3] =	sbarrier.arrive $0xFFFF;
	s2 =	simm.s32 @!p0 $0x1C01  }
0x6e: {  	[timem:s3], [sflag:s2] =	dma.local @!p0 [hbm:s0], s1  }
0x6f: {  	s0 =	simm.s32 @!p0 $0x1  }
0x70: {  	_ =	swait.ge @!p0 [sflag:s0], s1  }
0x71: {  	s1 =	ssub.s32 @!p0 $0x0, s1;
	[sflag:s0] =	ssyncset.done @!p0 $0x0  }
0x72: {  	[sflag:s0] =	ssyncadd.s32 @!p0 s1  }
0x73: {  	[bflag:$0x3] =	sbarrier.arrive $0xFFFF  }
0x74: {  	_ =	shalt  }

</sc_bundles>
